<compile_context>
chip_gen: v7x
topology: tpu7x:2x2x1
jax: 0.10.2.dev20260603
libtpu: 0.0.44.dev20260713+nightly
codegen_flags: <defaults>
</compile_context>

<pallas_src>
import functools

import jax
import jax.numpy as jnp
from jax import lax
from jax.experimental import pallas as pl
from jax.experimental.pallas import tpu as pltpu
from jax.experimental.pallas import tpu_sc as plsc

NC, NS, L = 2, 16, 16
NW = NC * NS
ROWS, COLS = 128, 100000
RG = ROWS // L
RPW = ROWS // NW
T0 = 57344
CH = 168
CPW = 8
SPAN = CH * CPW
STRIDE = 1336
LAST0 = COLS - SPAN
CHT = 4096
NEG = float("-inf")


def _sc_body(pred_hbm, true_hbm, out_hbm, true_v, buf0, buf1, gbuf,
             part_v, sem0, sem1, semg):
    core = lax.axis_index("c")
    s = lax.axis_index("s")
    w = core * NS + s
    base = pl.multiple_of(
        jnp.where(w < NW - 1, T0 + w * STRIDE, LAST0), 8)

    pltpu.sync_copy(true_hbm, true_v)
    lane = lax.iota(jnp.int32, L)

    lane4 = lane & 3
    rowsel = RPW * w + lane4
    tsel = plsc.load_gather(true_v, [rowsel])
    gdesc = pltpu.async_copy(pred_hbm.at[tsel], gbuf, semg)

    bufs = (buf0, buf1)
    sems = (sem0, sem1)

    def src(j):
        return pred_hbm.at[pl.ds(pl.multiple_of(base + j * CH, 8), CH), :]

    tvs = [true_v[pl.ds(16 * j, L)] for j in range(RG)]

    pltpu.async_copy(src(0), buf0, sem0)
    pltpu.async_copy(src(1), buf1, sem1)

    def pair_body(t, accs):
        j0 = 2 * t
        for b, (buf, sem) in enumerate(((buf0, sem0), (buf1, sem1))):
            j = j0 + b
            pltpu.make_async_copy(src(j), buf, sem).wait()

            @pl.when(j + 2 < CPW)
            def _():
                pltpu.async_copy(src(j + 2), buf, sem)

            c0 = base + j * CH
            for g in range(RG):
                p = tvs[g] - c0
                inr = (p >= 0) & (p < CH)
                pc = jnp.clip(p, 0, CH - 1)
                plsc.store_scatter(buf, [pc, lane + (16 * g)],
                                   jnp.full((L,), NEG, jnp.float32),
                                   mask=inr)

            def class_body(i, a, _buf=buf):
                return tuple(
                    jnp.maximum(a[k], _buf[i, pl.ds(16 * k, L)])
                    for k in range(RG))

            accs = plsc.parallel_loop(0, CH, 1, carry=accs)(class_body)
        return accs

    accs = lax.fori_loop(
        0, CPW // 2, pair_body,
        tuple(jnp.full((L,), NEG, jnp.float32) for _ in range(RG)))

    for g in range(RG):
        part_v[0, pl.ds(16 * g, L)] = accs[g]
        part_v[1, pl.ds(16 * g, L)] = jnp.full((L,), NEG, jnp.float32)

    gdesc.wait()
    dval = plsc.load_gather(gbuf, [lane4, rowsel])
    plsc.store_scatter(part_v, [jnp.broadcast_to(1, (L,)).astype(jnp.int32),
                                rowsel], dval, mask=lane < RPW)

    pltpu.sync_copy(part_v, out_hbm.at[w])


@functools.cache
def _sc_kernel():
    return functools.partial(
        pl.kernel,
        out_type=jax.ShapeDtypeStruct((NW, 2, ROWS), jnp.float32),
        mesh=plsc.VectorSubcoreMesh(core_axis_name="c",
                                    subcore_axis_name="s",
                                    num_cores=NC, num_subcores=NS),
        compiler_params=pltpu.CompilerParams(needs_layout_passes=False),
        scratch_types=[
            pltpu.VMEM((ROWS,), jnp.int32),
            pltpu.VMEM((CH, ROWS), jnp.float32),
            pltpu.VMEM((CH, ROWS), jnp.float32),
            pltpu.VMEM((L, ROWS), jnp.float32),
            pltpu.VMEM((2, ROWS), jnp.float32),
            pltpu.SemaphoreType.DMA,
            pltpu.SemaphoreType.DMA,
            pltpu.SemaphoreType.DMA,
        ],
    )(_sc_body)


def _tc_body(x_ref, m_ref):
    i = pl.program_id(0)

    @pl.when(i == 0)
    def _():
        m_ref[...] = jnp.full((16, ROWS), NEG, jnp.float32)

    x = x_ref[...]
    a, b = x[0:CHT // 2], x[CHT // 2:CHT]
    m1, m2 = jnp.maximum(a, b), jnp.minimum(a, b)
    n = CHT // 2
    while n > 8:
        h = n // 2
        a1, b1 = m1[:h], m1[h:]
        a2, b2 = m2[:h], m2[h:]
        m1, m2 = (jnp.maximum(a1, b1),
                  jnp.maximum(jnp.minimum(a1, b1), jnp.maximum(a2, b2)))
        n = h
    r1, r2 = m_ref[0:8, :], m_ref[8:16, :]
    m_ref[0:8, :] = jnp.maximum(r1, m1)
    m_ref[8:16, :] = jnp.maximum(jnp.minimum(r1, m1),
                                 jnp.maximum(r2, m2))


def _tc_head(predT):
    return pl.pallas_call(
        _tc_body,
        grid=(T0 // CHT,),
        in_specs=[pl.BlockSpec((CHT, ROWS), lambda i: (i, 0))],
        out_specs=pl.BlockSpec((16, ROWS), lambda i: (0, 0)),
        out_shape=jax.ShapeDtypeStruct((16, ROWS), jnp.float32),
    )(predT)


def _fin_body(x_ref, mm_ref, true_ref, o_ref):
    m_sc = jnp.max(x_ref[:, 0, :], axis=0)
    t = jnp.max(x_ref[:, 1, :], axis=0)
    a1, a2 = mm_ref[0:1, :], mm_ref[8:9, :]
    for k in range(1, 8):
        b1, b2 = mm_ref[k:k + 1, :], mm_ref[8 + k:9 + k, :]
        a1, a2 = (jnp.maximum(a1, b1),
                  jnp.maximum(jnp.minimum(a1, b1), jnp.maximum(a2, b2)))
    m1, m2 = a1[0], a2[0]
    cond = (true_ref[0] < T0) & (t == m1)
    m = jnp.maximum(m_sc, jnp.where(cond, m2, m1))
    o_ref[...] = jnp.sum(m - t).reshape(1, 1)


def _finish(partials, tc_mm, true2d):
    return pl.pallas_call(
        _fin_body,
        out_shape=jax.ShapeDtypeStruct((1, 1), jnp.float32),
    )(partials, tc_mm, true2d)


@jax.jit
def kernel(pred, true):
    true32 = true.astype(jnp.int32)
    predT = pred.T
    tc_mm = _tc_head(predT)
    partials = _sc_kernel()(predT, true32)
    return _finish(partials, tc_mm, true32.reshape(1, ROWS))[0, 0]

# --- scband reference (transcript-rebuilt; emitter-appended) ---
"""Pipeline reference for scband-mismatch-52475910422540 (READ-ONLY COPY).

The authoritative reference and input builder live on the scoring server;
editing this copy changes nothing except your own understanding.
"""

import jax, jax.numpy as jnp
import numpy as np


def setup_inputs(seed: int = 0) -> dict:
    key = jax.random.key(seed)
    k1, k2 = jax.random.split(key)
    pred = jax.random.normal(k1, (128, 100000), dtype=jnp.float32)
    true = jax.random.randint(k2, (128,), 0, 100000, dtype=jnp.int64)
    return {"pred": pred, "true": true}


def reference(pred, true):
    idx = jnp.arange(pred.shape[0])
    true_logits = pred[idx, true]
    pred_masked = pred.at[idx, true].set(-jnp.inf)
    target_logits = pred_masked.max(axis=1)
    return (target_logits - true_logits).sum()

if __name__ == "__main__":
    import jax
    _d = setup_inputs()
    print(jax.jit(kernel)(*tuple(_d.values())))

</pallas_src>

<mosaic_0001>
#map = affine_map<(d0, d1) -> (0, 0)>
#map1 = affine_map<(d0, d1) -> (0)>
#map2 = affine_map<(d0, d1) -> (0, 0, 0)>
module attributes {stable_mosaic.version = 14 : i64} {
  func.func @_sc_body(%arg0: i32, %arg1: i32, %arg2: memref<100000x128xf32, #tpu.memory_space<hbm>>, %arg3: memref<128xi32, #tpu.memory_space<hbm>>, %arg4: memref<32x2x128xf32, #tpu.memory_space<hbm>>, %arg5: memref<128xi32, #tpu.memory_space<vmem>>, %arg6: memref<168x128xf32, #tpu.memory_space<vmem>>, %arg7: memref<168x128xf32, #tpu.memory_space<vmem>>, %arg8: memref<16x128xf32, #tpu.memory_space<vmem>>, %arg9: memref<2x128xf32, #tpu.memory_space<vmem>>, %arg10: memref<!tpu.dma_semaphore, #tpu.memory_space<semaphore_mem>>, %arg11: memref<!tpu.dma_semaphore, #tpu.memory_space<semaphore_mem>>, %arg12: memref<!tpu.dma_semaphore, #tpu.memory_space<semaphore_mem>>) attributes {dimension_semantics = [#tpu.dimension_semantics<core_parallel>, #tpu.dimension_semantics<subcore_parallel>], iteration_bounds = array<i64: 2, 16>, scalar_prefetch = 0 : i64, scratch_operands = 8 : i64, tpu.core_type = #tpu.core_type<sc_vector_subcore>, window_params = [{transform_indices = #map}, {transform_indices = #map1}, {transform_indices = #map2}]} {
    %mul3A = arith.constant 16 : i32
    %mul3A_0 = arith.muli %arg0, %mul3A : i32
    %add3A = arith.addi %mul3A_0, %arg1 : i32
    %lt3A = arith.constant 31 : i32
    %lt3A_1 = arith.cmpi slt, %add3A, %lt3A : i32
    %mul3A_2 = arith.constant 1336 : i32
    %mul3A_3 = arith.muli %add3A, %mul3A_2 : i32
    %add3A_4 = arith.constant 57344 : i32
    %add3A_5 = arith.addi %add3A_4, %mul3A_3 : i32
    %jit3A = arith.constant 98656 : i32
    %select_n3A = arith.select %lt3A_1, %add3A_5, %jit3A : i32
    %multiple_of3A = tpu.assume_multiple %select_n3A, 8 : i32
    "tpu.region"() ({
      %run_scoped3A = tpu.sem_alloc : memref<!tpu.dma_semaphore, #tpu.memory_space<semaphore_mem>>
      tpu.enqueue_dma source(%arg3 : memref<128xi32, #tpu.memory_space<hbm>>) target(%arg5 : memref<128xi32, #tpu.memory_space<vmem>>) target_semaphore(%run_scoped3A : memref<!tpu.dma_semaphore, #tpu.memory_space<semaphore_mem>>)
      tpu.wait_dma2 semaphore(%run_scoped3A : memref<!tpu.dma_semaphore, #tpu.memory_space<semaphore_mem>>) src(%arg3 : memref<128xi32, #tpu.memory_space<hbm>>) dst(%arg5 : memref<128xi32, #tpu.memory_space<vmem>>)
      tpu.yield
    }) : () -> ()
    %iota3A = tpu.iota {dimensions = array<i32: 0>} : vector<16xi32>
    %and3A = arith.constant 3 : i32
    %and3A_6 = vector.broadcast %and3A : i32 to vector<16xi32>
    %and3A_7 = arith.andi %iota3A, %and3A_6 : vector<16xi32>
    %mul3A_8 = arith.constant 4 : i32
    %mul3A_9 = arith.muli %mul3A_8, %add3A : i32
    %add3A_10 = vector.broadcast %mul3A_9 : i32 to vector<16xi32>
    %add3A_11 = arith.addi %add3A_10, %and3A_7 : vector<16xi32>
    %gather3A = tpu.vector_load_idx %arg5[%add3A_11] : memref<128xi32, #tpu.memory_space<vmem>>[vector<16xi32>], vector<16xi32>,
    %dma_start3A = arith.constant 0 : i32
    %dma_start3A_12 = arith.constant 0 : i32
    %dma_start3A_13 = tpu.memref_slice %arg2[%dma_start3A, %dma_start3A_12] : memref<100000x128xf32, #tpu.memory_space<hbm>> -> memref<100000x128xf32, #tpu.memory_space<hbm>>
    tpu.enqueue_indirect_dma source(%dma_start3A_13 : memref<100000x128xf32, #tpu.memory_space<hbm>>) target(%arg8 : memref<16x128xf32, #tpu.memory_space<vmem>>) offsets(%gather3A : vector<16xi32>) semaphore(%arg12 : memref<!tpu.dma_semaphore, #tpu.memory_space<semaphore_mem>>)
    %get3A = arith.constant 0 : index
    %get3A_14 = tpu.vector_load %arg5[%get3A] {strides = array<i32>} : memref<128xi32, #tpu.memory_space<vmem>>, vector<16xi32>,
    %get3A_15 = arith.constant 16 : index
    %get3A_16 = tpu.vector_load %arg5[%get3A_15] {strides = array<i32>} : memref<128xi32, #tpu.memory_space<vmem>>, vector<16xi32>,
    %get3A_17 = arith.constant 32 : index
    %get3A_18 = tpu.vector_load %arg5[%get3A_17] {strides = array<i32>} : memref<128xi32, #tpu.memory_space<vmem>>, vector<16xi32>,
    %get3A_19 = arith.constant 48 : index
    %get3A_20 = tpu.vector_load %arg5[%get3A_19] {strides = array<i32>} : memref<128xi32, #tpu.memory_space<vmem>>, vector<16xi32>,
    %get3A_21 = arith.constant 64 : index
    %get3A_22 = tpu.vector_load %arg5[%get3A_21] {strides = array<i32>} : memref<128xi32, #tpu.memory_space<vmem>>, vector<16xi32>,
    %get3A_23 = arith.constant 80 : index
    %get3A_24 = tpu.vector_load %arg5[%get3A_23] {strides = array<i32>} : memref<128xi32, #tpu.memory_space<vmem>>, vector<16xi32>,
    %get3A_25 = arith.constant 96 : index
    %get3A_26 = tpu.vector_load %arg5[%get3A_25] {strides = array<i32>} : memref<128xi32, #tpu.memory_space<vmem>>, vector<16xi32>,
    %get3A_27 = arith.constant 112 : index
    %get3A_28 = tpu.vector_load %arg5[%get3A_27] {strides = array<i32>} : memref<128xi32, #tpu.memory_space<vmem>>, vector<16xi32>,
    %add3A_29 = arith.constant 0 : i32
    %add3A_30 = arith.addi %multiple_of3A, %add3A_29 : i32
    %multiple_of3A_31 = tpu.assume_multiple %add3A_30, 8 : i32
    %dma_start3A_32 = arith.constant 0 : i32
    %dma_start3A_33 = tpu.memref_slice %arg2[%multiple_of3A_31, %dma_start3A_32] : memref<100000x128xf32, #tpu.memory_space<hbm>> -> memref<168x128xf32, #tpu.memory_space<hbm>>
    %dma_start3A_34 = arith.constant 0 : i32
    %dma_start3A_35 = tpu.memref_slice %arg2[%multiple_of3A_31, %dma_start3A_34] : memref<100000x128xf32, #tpu.memory_space<hbm>> -> memref<168x128xf32, #tpu.memory_space<hbm>>
    tpu.enqueue_dma source(%dma_start3A_35 : memref<168x128xf32, #tpu.memory_space<hbm>>) target(%arg6 : memref<168x128xf32, #tpu.memory_space<vmem>>) target_semaphore(%arg10 : memref<!tpu.dma_semaphore, #tpu.memory_space<semaphore_mem>>)
    %add3A_36 = arith.constant 168 : i32
    %add3A_37 = arith.addi %multiple_of3A, %add3A_36 : i32
    %multiple_of3A_38 = tpu.assume_multiple %add3A_37, 8 : i32
    %dma_start3A_39 = arith.constant 0 : i32
    %dma_start3A_40 = tpu.memref_slice %arg2[%multiple_of3A_38, %dma_start3A_39] : memref<100000x128xf32, #tpu.memory_space<hbm>> -> memref<168x128xf32, #tpu.memory_space<hbm>>
    %dma_start3A_41 = arith.constant 0 : i32
    %dma_start3A_42 = tpu.memref_slice %arg2[%multiple_of3A_38, %dma_start3A_41] : memref<100000x128xf32, #tpu.memory_space<hbm>> -> memref<168x128xf32, #tpu.memory_space<hbm>>
    tpu.enqueue_dma source(%dma_start3A_42 : memref<168x128xf32, #tpu.memory_space<hbm>>) target(%arg7 : memref<168x128xf32, #tpu.memory_space<vmem>>) target_semaphore(%arg11 : memref<!tpu.dma_semaphore, #tpu.memory_space<semaphore_mem>>)
    %broadcast_in_dim3A = arith.constant 0xFF800000 : f32
    %broadcast_in_dim3A_43 = vector.broadcast %broadcast_in_dim3A : f32 to vector<16xf32>
    %broadcast_in_dim3A_44 = arith.constant 0xFF800000 : f32
    %broadcast_in_dim3A_45 = vector.broadcast %broadcast_in_dim3A_44 : f32 to vector<16xf32>
    %broadcast_in_dim3A_46 = arith.constant 0xFF800000 : f32
    %broadcast_in_dim3A_47 = vector.broadcast %broadcast_in_dim3A_46 : f32 to vector<16xf32>
    %broadcast_in_dim3A_48 = arith.constant 0xFF800000 : f32
    %broadcast_in_dim3A_49 = vector.broadcast %broadcast_in_dim3A_48 : f32 to vector<16xf32>
    %broadcast_in_dim3A_50 = arith.constant 0xFF800000 : f32
    %broadcast_in_dim3A_51 = vector.broadcast %broadcast_in_dim3A_50 : f32 to vector<16xf32>
    %broadcast_in_dim3A_52 = arith.constant 0xFF800000 : f32
    %broadcast_in_dim3A_53 = vector.broadcast %broadcast_in_dim3A_52 : f32 to vector<16xf32>
    %broadcast_in_dim3A_54 = arith.constant 0xFF800000 : f32
    %broadcast_in_dim3A_55 = vector.broadcast %broadcast_in_dim3A_54 : f32 to vector<16xf32>
    %broadcast_in_dim3A_56 = arith.constant 0xFF800000 : f32
    %broadcast_in_dim3A_57 = vector.broadcast %broadcast_in_dim3A_56 : f32 to vector<16xf32>
    %scan3A = arith.constant 0 : i32
    %scan3A_58 = arith.constant 4 : i32
    %scan3A_59 = arith.addi %scan3A, %scan3A_58 : i32
    %scan3A_60 = arith.constant 1 : i32
    %scan3A_61:8 = scf.for %scan3A_150 = %scan3A to %scan3A_59 step %scan3A_60 iter_args(%scan3A_151 = %broadcast_in_dim3A_43, %scan3A_152 = %broadcast_in_dim3A_45, %scan3A_153 = %broadcast_in_dim3A_47, %scan3A_154 = %broadcast_in_dim3A_49, %scan3A_155 = %broadcast_in_dim3A_51, %scan3A_156 = %broadcast_in_dim3A_53, %scan3A_157 = %broadcast_in_dim3A_55, %scan3A_158 = %broadcast_in_dim3A_57) -> (vector<16xf32>, vector<16xf32>, vector<16xf32>, vector<16xf32>, vector<16xf32>, vector<16xf32>, vector<16xf32>, vector<16xf32>)  : i32 {
      %mul3A_159 = arith.constant 2 : i32
      %mul3A_160 = arith.muli %mul3A_159, %scan3A_150 : i32
      %add3A_161 = arith.constant 0 : i32
      %add3A_162 = arith.addi %mul3A_160, %add3A_161 : i32
      %mul3A_163 = arith.constant 168 : i32
      %mul3A_164 = arith.muli %add3A_162, %mul3A_163 : i32
      %add3A_165 = arith.addi %multiple_of3A, %mul3A_164 : i32
      %multiple_of3A_166 = tpu.assume_multiple %add3A_165, 8 : i32
      %dma_wait3A_167 = arith.constant 0 : i32
      %dma_wait3A_168 = tpu.memref_slice %arg2[%multiple_of3A_166, %dma_wait3A_167] : memref<100000x128xf32, #tpu.memory_space<hbm>> -> memref<168x128xf32, #tpu.memory_space<hbm>>
      %dma_wait3A_169 = arith.constant 0 : i32
      %dma_wait3A_170 = tpu.memref_slice %arg2[%multiple_of3A_166, %dma_wait3A_169] : memref<100000x128xf32, #tpu.memory_space<hbm>> -> memref<168x128xf32, #tpu.memory_space<hbm>>
      tpu.wait_dma2 semaphore(%arg10 : memref<!tpu.dma_semaphore, #tpu.memory_space<semaphore_mem>>) src(%dma_wait3A_170 : memref<168x128xf32, #tpu.memory_space<hbm>>) dst(%arg6 : memref<168x128xf32, #tpu.memory_space<vmem>>)
      %add3A_171 = arith.constant 2 : i32
      %add3A_172 = arith.addi %add3A_162, %add3A_171 : i32
      %lt3A_173 = arith.constant 8 : i32
      %lt3A_174 = arith.cmpi slt, %add3A_172, %lt3A_173 : i32
      %convert_element_type3A = arith.extui %lt3A_174 : i1 to i32
      %cond3A = arith.constant 0 : i32
      %cond3A_175 = arith.cmpi ne, %convert_element_type3A, %cond3A : i32
      scf.if %cond3A_175 {
        %add3A_522 = arith.constant 2 : i32
        %add3A_523 = arith.addi %add3A_162, %add3A_522 : i32
        %mul3A_524 = arith.constant 168 : i32
        %mul3A_525 = arith.muli %add3A_523, %mul3A_524 : i32
        %add3A_526 = arith.addi %multiple_of3A, %mul3A_525 : i32
        %multiple_of3A_527 = tpu.assume_multiple %add3A_526, 8 : i32
        %dma_start3A_528 = arith.constant 0 : i32
        %dma_start3A_529 = tpu.memref_slice %arg2[%multiple_of3A_527, %dma_start3A_528] : memref<100000x128xf32, #tpu.memory_space<hbm>> -> memref<168x128xf32, #tpu.memory_space<hbm>>
        %dma_start3A_530 = arith.constant 0 : i32
        %dma_start3A_531 = tpu.memref_slice %arg2[%multiple_of3A_527, %dma_start3A_530] : memref<100000x128xf32, #tpu.memory_space<hbm>> -> memref<168x128xf32, #tpu.memory_space<hbm>>
        tpu.enqueue_dma source(%dma_start3A_531 : memref<168x128xf32, #tpu.memory_space<hbm>>) target(%arg6 : memref<168x128xf32, #tpu.memory_space<vmem>>) target_semaphore(%arg10 : memref<!tpu.dma_semaphore, #tpu.memory_space<semaphore_mem>>)
      } else {
      }
      %mul3A_176 = arith.constant 168 : i32
      %mul3A_177 = arith.muli %add3A_162, %mul3A_176 : i32
      %add3A_178 = arith.addi %multiple_of3A, %mul3A_177 : i32
      %sub3A = vector.broadcast %add3A_178 : i32 to vector<16xi32>
      %sub3A_179 = arith.subi %get3A_14, %sub3A : vector<16xi32>
      %ge3A = arith.constant 0 : i32
      %ge3A_180 = vector.broadcast %ge3A : i32 to vector<16xi32>
      %ge3A_181 = arith.cmpi sge, %sub3A_179, %ge3A_180 : vector<16xi32>
      %lt3A_182 = arith.constant 168 : i32
      %lt3A_183 = vector.broadcast %lt3A_182 : i32 to vector<16xi32>
      %lt3A_184 = arith.cmpi slt, %sub3A_179, %lt3A_183 : vector<16xi32>
      %and3A_185 = arith.andi %ge3A_181, %lt3A_184 : vector<16xi1>
      %jit3A_186 = arith.constant 0 : i32
      %jit3A_187 = arith.constant 167 : i32
      %max3A = vector.broadcast %jit3A_186 : i32 to vector<16xi32>
      %max3A_188 = arith.maxsi %max3A, %sub3A_179 : vector<16xi32>
      %min3A = vector.broadcast %jit3A_187 : i32 to vector<16xi32>
      %min3A_189 = arith.minsi %min3A, %max3A_188 : vector<16xi32>
      %add3A_190 = arith.constant 0 : i32
      %add3A_191 = vector.broadcast %add3A_190 : i32 to vector<16xi32>
      %add3A_192 = arith.addi %iota3A, %add3A_191 : vector<16xi32>
      %broadcast_in_dim3A_193 = arith.constant 0xFF800000 : f32
      %broadcast_in_dim3A_194 = vector.broadcast %broadcast_in_dim3A_193 : f32 to vector<16xf32>
      tpu.vector_store_idx %arg6[%min3A_189, %add3A_192], %broadcast_in_dim3A_194 masked %and3A_185 : memref<168x128xf32, #tpu.memory_space<vmem>>[vector<16xi32>, vector<16xi32>], vector<16xf32>, vector<16xi1>
      %sub3A_195 = vector.broadcast %add3A_178 : i32 to vector<16xi32>
      %sub3A_196 = arith.subi %get3A_16, %sub3A_195 : vector<16xi32>
      %ge3A_197 = arith.constant 0 : i32
      %ge3A_198 = vector.broadcast %ge3A_197 : i32 to vector<16xi32>
      %ge3A_199 = arith.cmpi sge, %sub3A_196, %ge3A_198 : vector<16xi32>
      %lt3A_200 = arith.constant 168 : i32
      %lt3A_201 = vector.broadcast %lt3A_200 : i32 to vector<16xi32>
      %lt3A_202 = arith.cmpi slt, %sub3A_196, %lt3A_201 : vector<16xi32>
      %and3A_203 = arith.andi %ge3A_199, %lt3A_202 : vector<16xi1>
      %jit3A_204 = arith.constant 0 : i32
      %jit3A_205 = arith.constant 167 : i32
      %max3A_206 = vector.broadcast %jit3A_204 : i32 to vector<16xi32>
      %max3A_207 = arith.maxsi %max3A_206, %sub3A_196 : vector<16xi32>
      %min3A_208 = vector.broadcast %jit3A_205 : i32 to vector<16xi32>
      %min3A_209 = arith.minsi %min3A_208, %max3A_207 : vector<16xi32>
      %add3A_210 = arith.constant 16 : i32
      %add3A_211 = vector.broadcast %add3A_210 : i32 to vector<16xi32>
      %add3A_212 = arith.addi %iota3A, %add3A_211 : vector<16xi32>
      %broadcast_in_dim3A_213 = arith.constant 0xFF800000 : f32
      %broadcast_in_dim3A_214 = vector.broadcast %broadcast_in_dim3A_213 : f32 to vector<16xf32>
      tpu.vector_store_idx %arg6[%min3A_209, %add3A_212], %broadcast_in_dim3A_214 masked %and3A_203 : memref<168x128xf32, #tpu.memory_space<vmem>>[vector<16xi32>, vector<16xi32>], vector<16xf32>, vector<16xi1>
      %sub3A_215 = vector.broadcast %add3A_178 : i32 to vector<16xi32>
      %sub3A_216 = arith.subi %get3A_18, %sub3A_215 : vector<16xi32>
      %ge3A_217 = arith.constant 0 : i32
      %ge3A_218 = vector.broadcast %ge3A_217 : i32 to vector<16xi32>
      %ge3A_219 = arith.cmpi sge, %sub3A_216, %ge3A_218 : vector<16xi32>
      %lt3A_220 = arith.constant 168 : i32
      %lt3A_221 = vector.broadcast %lt3A_220 : i32 to vector<16xi32>
      %lt3A_222 = arith.cmpi slt, %sub3A_216, %lt3A_221 : vector<16xi32>
      %and3A_223 = arith.andi %ge3A_219, %lt3A_222 : vector<16xi1>
      %jit3A_224 = arith.constant 0 : i32
      %jit3A_225 = arith.constant 167 : i32
      %max3A_226 = vector.broadcast %jit3A_224 : i32 to vector<16xi32>
      %max3A_227 = arith.maxsi %max3A_226, %sub3A_216 : vector<16xi32>
      %min3A_228 = vector.broadcast %jit3A_225 : i32 to vector<16xi32>
      %min3A_229 = arith.minsi %min3A_228, %max3A_227 : vector<16xi32>
      %add3A_230 = arith.constant 32 : i32
      %add3A_231 = vector.broadcast %add3A_230 : i32 to vector<16xi32>
      %add3A_232 = arith.addi %iota3A, %add3A_231 : vector<16xi32>
      %broadcast_in_dim3A_233 = arith.constant 0xFF800000 : f32
      %broadcast_in_dim3A_234 = vector.broadcast %broadcast_in_dim3A_233 : f32 to vector<16xf32>
      tpu.vector_store_idx %arg6[%min3A_229, %add3A_232], %broadcast_in_dim3A_234 masked %and3A_223 : memref<168x128xf32, #tpu.memory_space<vmem>>[vector<16xi32>, vector<16xi32>], vector<16xf32>, vector<16xi1>
      %sub3A_235 = vector.broadcast %add3A_178 : i32 to vector<16xi32>
      %sub3A_236 = arith.subi %get3A_20, %sub3A_235 : vector<16xi32>
      %ge3A_237 = arith.constant 0 : i32
      %ge3A_238 = vector.broadcast %ge3A_237 : i32 to vector<16xi32>
      %ge3A_239 = arith.cmpi sge, %sub3A_236, %ge3A_238 : vector<16xi32>
      %lt3A_240 = arith.constant 168 : i32
      %lt3A_241 = vector.broadcast %lt3A_240 : i32 to vector<16xi32>
      %lt3A_242 = arith.cmpi slt, %sub3A_236, %lt3A_241 : vector<16xi32>
      %and3A_243 = arith.andi %ge3A_239, %lt3A_242 : vector<16xi1>
      %jit3A_244 = arith.constant 0 : i32
      %jit3A_245 = arith.constant 167 : i32
      %max3A_246 = vector.broadcast %jit3A_244 : i32 to vector<16xi32>
      %max3A_247 = arith.maxsi %max3A_246, %sub3A_236 : vector<16xi32>
      %min3A_248 = vector.broadcast %jit3A_245 : i32 to vector<16xi32>
      %min3A_249 = arith.minsi %min3A_248, %max3A_247 : vector<16xi32>
      %add3A_250 = arith.constant 48 : i32
      %add3A_251 = vector.broadcast %add3A_250 : i32 to vector<16xi32>
      %add3A_252 = arith.addi %iota3A, %add3A_251 : vector<16xi32>
      %broadcast_in_dim3A_253 = arith.constant 0xFF800000 : f32
      %broadcast_in_dim3A_254 = vector.broadcast %broadcast_in_dim3A_253 : f32 to vector<16xf32>
      tpu.vector_store_idx %arg6[%min3A_249, %add3A_252], %broadcast_in_dim3A_254 masked %and3A_243 : memref<168x128xf32, #tpu.memory_space<vmem>>[vector<16xi32>, vector<16xi32>], vector<16xf32>, vector<16xi1>
      %sub3A_255 = vector.broadcast %add3A_178 : i32 to vector<16xi32>
      %sub3A_256 = arith.subi %get3A_22, %sub3A_255 : vector<16xi32>
      %ge3A_257 = arith.constant 0 : i32
      %ge3A_258 = vector.broadcast %ge3A_257 : i32 to vector<16xi32>
      %ge3A_259 = arith.cmpi sge, %sub3A_256, %ge3A_258 : vector<16xi32>
      %lt3A_260 = arith.constant 168 : i32
      %lt3A_261 = vector.broadcast %lt3A_260 : i32 to vector<16xi32>
      %lt3A_262 = arith.cmpi slt, %sub3A_256, %lt3A_261 : vector<16xi32>
      %and3A_263 = arith.andi %ge3A_259, %lt3A_262 : vector<16xi1>
      %jit3A_264 = arith.constant 0 : i32
      %jit3A_265 = arith.constant 167 : i32
      %max3A_266 = vector.broadcast %jit3A_264 : i32 to vector<16xi32>
      %max3A_267 = arith.maxsi %max3A_266, %sub3A_256 : vector<16xi32>
      %min3A_268 = vector.broadcast %jit3A_265 : i32 to vector<16xi32>
      %min3A_269 = arith.minsi %min3A_268, %max3A_267 : vector<16xi32>
      %add3A_270 = arith.constant 64 : i32
      %add3A_271 = vector.broadcast %add3A_270 : i32 to vector<16xi32>
      %add3A_272 = arith.addi %iota3A, %add3A_271 : vector<16xi32>
      %broadcast_in_dim3A_273 = arith.constant 0xFF800000 : f32
      %broadcast_in_dim3A_274 = vector.broadcast %broadcast_in_dim3A_273 : f32 to vector<16xf32>
      tpu.vector_store_idx %arg6[%min3A_269, %add3A_272], %broadcast_in_dim3A_274 masked %and3A_263 : memref<168x128xf32, #tpu.memory_space<vmem>>[vector<16xi32>, vector<16xi32>], vector<16xf32>, vector<16xi1>
      %sub3A_275 = vector.broadcast %add3A_178 : i32 to vector<16xi32>
      %sub3A_276 = arith.subi %get3A_24, %sub3A_275 : vector<16xi32>
      %ge3A_277 = arith.constant 0 : i32
      %ge3A_278 = vector.broadcast %ge3A_277 : i32 to vector<16xi32>
      %ge3A_279 = arith.cmpi sge, %sub3A_276, %ge3A_278 : vector<16xi32>
      %lt3A_280 = arith.constant 168 : i32
      %lt3A_281 = vector.broadcast %lt3A_280 : i32 to vector<16xi32>
      %lt3A_282 = arith.cmpi slt, %sub3A_276, %lt3A_281 : vector<16xi32>
      %and3A_283 = arith.andi %ge3A_279, %lt3A_282 : vector<16xi1>
      %jit3A_284 = arith.constant 0 : i32
      %jit3A_285 = arith.constant 167 : i32
      %max3A_286 = vector.broadcast %jit3A_284 : i32 to vector<16xi32>
      %max3A_287 = arith.maxsi %max3A_286, %sub3A_276 : vector<16xi32>
      %min3A_288 = vector.broadcast %jit3A_285 : i32 to vector<16xi32>
      %min3A_289 = arith.minsi %min3A_288, %max3A_287 : vector<16xi32>
      %add3A_290 = arith.constant 80 : i32
      %add3A_291 = vector.broadcast %add3A_290 : i32 to vector<16xi32>
      %add3A_292 = arith.addi %iota3A, %add3A_291 : vector<16xi32>
      %broadcast_in_dim3A_293 = arith.constant 0xFF800000 : f32
      %broadcast_in_dim3A_294 = vector.broadcast %broadcast_in_dim3A_293 : f32 to vector<16xf32>
      tpu.vector_store_idx %arg6[%min3A_289, %add3A_292], %broadcast_in_dim3A_294 masked %and3A_283 : memref<168x128xf32, #tpu.memory_space<vmem>>[vector<16xi32>, vector<16xi32>], vector<16xf32>, vector<16xi1>
      %sub3A_295 = vector.broadcast %add3A_178 : i32 to vector<16xi32>
      %sub3A_296 = arith.subi %get3A_26, %sub3A_295 : vector<16xi32>
      %ge3A_297 = arith.constant 0 : i32
      %ge3A_298 = vector.broadcast %ge3A_297 : i32 to vector<16xi32>
      %ge3A_299 = arith.cmpi sge, %sub3A_296, %ge3A_298 : vector<16xi32>
      %lt3A_300 = arith.constant 168 : i32
      %lt3A_301 = vector.broadcast %lt3A_300 : i32 to vector<16xi32>
      %lt3A_302 = arith.cmpi slt, %sub3A_296, %lt3A_301 : vector<16xi32>
      %and3A_303 = arith.andi %ge3A_299, %lt3A_302 : vector<16xi1>
      %jit3A_304 = arith.constant 0 : i32
      %jit3A_305 = arith.constant 167 : i32
      %max3A_306 = vector.broadcast %jit3A_304 : i32 to vector<16xi32>
      %max3A_307 = arith.maxsi %max3A_306, %sub3A_296 : vector<16xi32>
      %min3A_308 = vector.broadcast %jit3A_305 : i32 to vector<16xi32>
      %min3A_309 = arith.minsi %min3A_308, %max3A_307 : vector<16xi32>
      %add3A_310 = arith.constant 96 : i32
      %add3A_311 = vector.broadcast %add3A_310 : i32 to vector<16xi32>
      %add3A_312 = arith.addi %iota3A, %add3A_311 : vector<16xi32>
      %broadcast_in_dim3A_313 = arith.constant 0xFF800000 : f32
      %broadcast_in_dim3A_314 = vector.broadcast %broadcast_in_dim3A_313 : f32 to vector<16xf32>
      tpu.vector_store_idx %arg6[%min3A_309, %add3A_312], %broadcast_in_dim3A_314 masked %and3A_303 : memref<168x128xf32, #tpu.memory_space<vmem>>[vector<16xi32>, vector<16xi32>], vector<16xf32>, vector<16xi1>
      %sub3A_315 = vector.broadcast %add3A_178 : i32 to vector<16xi32>
      %sub3A_316 = arith.subi %get3A_28, %sub3A_315 : vector<16xi32>
      %ge3A_317 = arith.constant 0 : i32
      %ge3A_318 = vector.broadcast %ge3A_317 : i32 to vector<16xi32>
      %ge3A_319 = arith.cmpi sge, %sub3A_316, %ge3A_318 : vector<16xi32>
      %lt3A_320 = arith.constant 168 : i32
      %lt3A_321 = vector.broadcast %lt3A_320 : i32 to vector<16xi32>
      %lt3A_322 = arith.cmpi slt, %sub3A_316, %lt3A_321 : vector<16xi32>
      %and3A_323 = arith.andi %ge3A_319, %lt3A_322 : vector<16xi1>
      %jit3A_324 = arith.constant 0 : i32
      %jit3A_325 = arith.constant 167 : i32
      %max3A_326 = vector.broadcast %jit3A_324 : i32 to vector<16xi32>
      %max3A_327 = arith.maxsi %max3A_326, %sub3A_316 : vector<16xi32>
      %min3A_328 = vector.broadcast %jit3A_325 : i32 to vector<16xi32>
      %min3A_329 = arith.minsi %min3A_328, %max3A_327 : vector<16xi32>
      %add3A_330 = arith.constant 112 : i32
      %add3A_331 = vector.broadcast %add3A_330 : i32 to vector<16xi32>
      %add3A_332 = arith.addi %iota3A, %add3A_331 : vector<16xi32>
      %broadcast_in_dim3A_333 = arith.constant 0xFF800000 : f32
      %broadcast_in_dim3A_334 = vector.broadcast %broadcast_in_dim3A_333 : f32 to vector<16xf32>
      tpu.vector_store_idx %arg6[%min3A_329, %add3A_332], %broadcast_in_dim3A_334 masked %and3A_323 : memref<168x128xf32, #tpu.memory_space<vmem>>[vector<16xi32>, vector<16xi32>], vector<16xf32>, vector<16xi1>
      %parallel_loop3A = arith.constant 0 : i32
      %parallel_loop3A_335 = arith.constant 168 : i32
      %parallel_loop3A_336 = arith.constant 1 : i32
      %parallel_loop3A_337:8 = scf.for %parallel_loop3A_522 = %parallel_loop3A to %parallel_loop3A_335 step %parallel_loop3A_336 iter_args(%parallel_loop3A_523 = %scan3A_151, %parallel_loop3A_524 = %scan3A_152, %parallel_loop3A_525 = %scan3A_153, %parallel_loop3A_526 = %scan3A_154, %parallel_loop3A_527 = %scan3A_155, %parallel_loop3A_528 = %scan3A_156, %parallel_loop3A_529 = %scan3A_157, %parallel_loop3A_530 = %scan3A_158) -> (vector<16xf32>, vector<16xf32>, vector<16xf32>, vector<16xf32>, vector<16xf32>, vector<16xf32>, vector<16xf32>, vector<16xf32>)  : i32 {
        %parallel_loop3A_531 = arith.index_cast %parallel_loop3A_522 : i32 to index
        %parallel_loop3A_532 = arith.constant 0 : index
        %parallel_loop3A_533 = tpu.vector_load %arg6[%parallel_loop3A_531, %parallel_loop3A_532] {strides = array<i32>} : memref<168x128xf32, #tpu.memory_space<vmem>>, vector<16xf32>,
        %parallel_loop3A_534 = arith.maximumf %parallel_loop3A_523, %parallel_loop3A_533 : vector<16xf32>
        %parallel_loop3A_535 = arith.index_cast %parallel_loop3A_522 : i32 to index
        %parallel_loop3A_536 = arith.constant 16 : index
        %parallel_loop3A_537 = tpu.vector_load %arg6[%parallel_loop3A_535, %parallel_loop3A_536] {strides = array<i32>} : memref<168x128xf32, #tpu.memory_space<vmem>>, vector<16xf32>,
        %parallel_loop3A_538 = arith.maximumf %parallel_loop3A_524, %parallel_loop3A_537 : vector<16xf32>
        %parallel_loop3A_539 = arith.index_cast %parallel_loop3A_522 : i32 to index
        %parallel_loop3A_540 = arith.constant 32 : index
        %parallel_loop3A_541 = tpu.vector_load %arg6[%parallel_loop3A_539, %parallel_loop3A_540] {strides = array<i32>} : memref<168x128xf32, #tpu.memory_space<vmem>>, vector<16xf32>,
        %parallel_loop3A_542 = arith.maximumf %parallel_loop3A_525, %parallel_loop3A_541 : vector<16xf32>
        %parallel_loop3A_543 = arith.index_cast %parallel_loop3A_522 : i32 to index
        %parallel_loop3A_544 = arith.constant 48 : index
        %parallel_loop3A_545 = tpu.vector_load %arg6[%parallel_loop3A_543, %parallel_loop3A_544] {strides = array<i32>} : memref<168x128xf32, #tpu.memory_space<vmem>>, vector<16xf32>,
        %parallel_loop3A_546 = arith.maximumf %parallel_loop3A_526, %parallel_loop3A_545 : vector<16xf32>
        %parallel_loop3A_547 = arith.index_cast %parallel_loop3A_522 : i32 to index
        %parallel_loop3A_548 = arith.constant 64 : index
        %parallel_loop3A_549 = tpu.vector_load %arg6[%parallel_loop3A_547, %parallel_loop3A_548] {strides = array<i32>} : memref<168x128xf32, #tpu.memory_space<vmem>>, vector<16xf32>,
        %parallel_loop3A_550 = arith.maximumf %parallel_loop3A_527, %parallel_loop3A_549 : vector<16xf32>
        %parallel_loop3A_551 = arith.index_cast %parallel_loop3A_522 : i32 to index
        %parallel_loop3A_552 = arith.constant 80 : index
        %parallel_loop3A_553 = tpu.vector_load %arg6[%parallel_loop3A_551, %parallel_loop3A_552] {strides = array<i32>} : memref<168x128xf32, #tpu.memory_space<vmem>>, vector<16xf32>,
        %parallel_loop3A_554 = arith.maximumf %parallel_loop3A_528, %parallel_loop3A_553 : vector<16xf32>
        %parallel_loop3A_555 = arith.index_cast %parallel_loop3A_522 : i32 to index
        %parallel_loop3A_556 = arith.constant 96 : index
        %parallel_loop3A_557 = tpu.vector_load %arg6[%parallel_loop3A_555, %parallel_loop3A_556] {strides = array<i32>} : memref<168x128xf32, #tpu.memory_space<vmem>>, vector<16xf32>,
        %parallel_loop3A_558 = arith.maximumf %parallel_loop3A_529, %parallel_loop3A_557 : vector<16xf32>
        %parallel_loop3A_559 = arith.index_cast %parallel_loop3A_522 : i32 to index
        %parallel_loop3A_560 = arith.constant 112 : index
        %parallel_loop3A_561 = tpu.vector_load %arg6[%parallel_loop3A_559, %parallel_loop3A_560] {strides = array<i32>} : memref<168x128xf32, #tpu.memory_space<vmem>>, vector<16xf32>,
        %parallel_loop3A_562 = arith.maximumf %parallel_loop3A_530, %parallel_loop3A_561 : vector<16xf32>
        scf.yield %parallel_loop3A_534, %parallel_loop3A_538, %parallel_loop3A_542, %parallel_loop3A_546, %parallel_loop3A_550, %parallel_loop3A_554, %parallel_loop3A_558, %parallel_loop3A_562 : vector<16xf32>, vector<16xf32>, vector<16xf32>, vector<16xf32>, vector<16xf32>, vector<16xf32>, vector<16xf32>, vector<16xf32>
      } {sc.loop_unroll_factor = 1 : i64, sc.parallel_access}
      %add3A_338 = arith.constant 1 : i32
      %add3A_339 = arith.addi %mul3A_160, %add3A_338 : i32
      %mul3A_340 = arith.constant 168 : i32
      %mul3A_341 = arith.muli %add3A_339, %mul3A_340 : i32
      %add3A_342 = arith.addi %multiple_of3A, %mul3A_341 : i32
      %multiple_of3A_343 = tpu.assume_multiple %add3A_342, 8 : i32
      %dma_wait3A_344 = arith.constant 0 : i32
      %dma_wait3A_345 = tpu.memref_slice %arg2[%multiple_of3A_343, %dma_wait3A_344] : memref<100000x128xf32, #tpu.memory_space<hbm>> -> memref<168x128xf32, #tpu.memory_space<hbm>>
      %dma_wait3A_346 = arith.constant 0 : i32
      %dma_wait3A_347 = tpu.memref_slice %arg2[%multiple_of3A_343, %dma_wait3A_346] : memref<100000x128xf32, #tpu.memory_space<hbm>> -> memref<168x128xf32, #tpu.memory_space<hbm>>
      tpu.wait_dma2 semaphore(%arg11 : memref<!tpu.dma_semaphore, #tpu.memory_space<semaphore_mem>>) src(%dma_wait3A_347 : memref<168x128xf32, #tpu.memory_space<hbm>>) dst(%arg7 : memref<168x128xf32, #tpu.memory_space<vmem>>)
      %add3A_348 = arith.constant 2 : i32
      %add3A_349 = arith.addi %add3A_339, %add3A_348 : i32
      %lt3A_350 = arith.constant 8 : i32
      %lt3A_351 = arith.cmpi slt, %add3A_349, %lt3A_350 : i32
      %convert_element_type3A_352 = arith.extui %lt3A_351 : i1 to i32
      %cond3A_353 = arith.constant 0 : i32
      %cond3A_354 = arith.cmpi ne, %convert_element_type3A_352, %cond3A_353 : i32
      scf.if %cond3A_354 {
        %add3A_522 = arith.constant 2 : i32
        %add3A_523 = arith.addi %add3A_339, %add3A_522 : i32
        %mul3A_524 = arith.constant 168 : i32
        %mul3A_525 = arith.muli %add3A_523, %mul3A_524 : i32
        %add3A_526 = arith.addi %multiple_of3A, %mul3A_525 : i32
        %multiple_of3A_527 = tpu.assume_multiple %add3A_526, 8 : i32
        %dma_start3A_528 = arith.constant 0 : i32
        %dma_start3A_529 = tpu.memref_slice %arg2[%multiple_of3A_527, %dma_start3A_528] : memref<100000x128xf32, #tpu.memory_space<hbm>> -> memref<168x128xf32, #tpu.memory_space<hbm>>
        %dma_start3A_530 = arith.constant 0 : i32
        %dma_start3A_531 = tpu.memref_slice %arg2[%multiple_of3A_527, %dma_start3A_530] : memref<100000x128xf32, #tpu.memory_space<hbm>> -> memref<168x128xf32, #tpu.memory_space<hbm>>
        tpu.enqueue_dma source(%dma_start3A_531 : memref<168x128xf32, #tpu.memory_space<hbm>>) target(%arg7 : memref<168x128xf32, #tpu.memory_space<vmem>>) target_semaphore(%arg11 : memref<!tpu.dma_semaphore, #tpu.memory_space<semaphore_mem>>)
      } else {
      }
      %mul3A_355 = arith.constant 168 : i32
      %mul3A_356 = arith.muli %add3A_339, %mul3A_355 : i32
      %add3A_357 = arith.addi %multiple_of3A, %mul3A_356 : i32
      %sub3A_358 = vector.broadcast %add3A_357 : i32 to vector<16xi32>
      %sub3A_359 = arith.subi %get3A_14, %sub3A_358 : vector<16xi32>
      %ge3A_360 = arith.constant 0 : i32
      %ge3A_361 = vector.broadcast %ge3A_360 : i32 to vector<16xi32>
      %ge3A_362 = arith.cmpi sge, %sub3A_359, %ge3A_361 : vector<16xi32>
      %lt3A_363 = arith.constant 168 : i32
      %lt3A_364 = vector.broadcast %lt3A_363 : i32 to vector<16xi32>
      %lt3A_365 = arith.cmpi slt, %sub3A_359, %lt3A_364 : vector<16xi32>
      %and3A_366 = arith.andi %ge3A_362, %lt3A_365 : vector<16xi1>
      %jit3A_367 = arith.constant 0 : i32
      %jit3A_368 = arith.constant 167 : i32
      %max3A_369 = vector.broadcast %jit3A_367 : i32 to vector<16xi32>
      %max3A_370 = arith.maxsi %max3A_369, %sub3A_359 : vector<16xi32>
      %min3A_371 = vector.broadcast %jit3A_368 : i32 to vector<16xi32>
      %min3A_372 = arith.minsi %min3A_371, %max3A_370 : vector<16xi32>
      %add3A_373 = arith.constant 0 : i32
      %add3A_374 = vector.broadcast %add3A_373 : i32 to vector<16xi32>
      %add3A_375 = arith.addi %iota3A, %add3A_374 : vector<16xi32>
      %broadcast_in_dim3A_376 = arith.constant 0xFF800000 : f32
      %broadcast_in_dim3A_377 = vector.broadcast %broadcast_in_dim3A_376 : f32 to vector<16xf32>
      tpu.vector_store_idx %arg7[%min3A_372, %add3A_375], %broadcast_in_dim3A_377 masked %and3A_366 : memref<168x128xf32, #tpu.memory_space<vmem>>[vector<16xi32>, vector<16xi32>], vector<16xf32>, vector<16xi1>
      %sub3A_378 = vector.broadcast %add3A_357 : i32 to vector<16xi32>
      %sub3A_379 = arith.subi %get3A_16, %sub3A_378 : vector<16xi32>
      %ge3A_380 = arith.constant 0 : i32
      %ge3A_381 = vector.broadcast %ge3A_380 : i32 to vector<16xi32>
      %ge3A_382 = arith.cmpi sge, %sub3A_379, %ge3A_381 : vector<16xi32>
      %lt3A_383 = arith.constant 168 : i32
      %lt3A_384 = vector.broadcast %lt3A_383 : i32 to vector<16xi32>
      %lt3A_385 = arith.cmpi slt, %sub3A_379, %lt3A_384 : vector<16xi32>
      %and3A_386 = arith.andi %ge3A_382, %lt3A_385 : vector<16xi1>
      %jit3A_387 = arith.constant 0 : i32
      %jit3A_388 = arith.constant 167 : i32
      %max3A_389 = vector.broadcast %jit3A_387 : i32 to vector<16xi32>
      %max3A_390 = arith.maxsi %max3A_389, %sub3A_379 : vector<16xi32>
      %min3A_391 = vector.broadcast %jit3A_388 : i32 to vector<16xi32>
      %min3A_392 = arith.minsi %min3A_391, %max3A_390 : vector<16xi32>
      %add3A_393 = arith.constant 16 : i32
      %add3A_394 = vector.broadcast %add3A_393 : i32 to vector<16xi32>
      %add3A_395 = arith.addi %iota3A, %add3A_394 : vector<16xi32>
      %broadcast_in_dim3A_396 = arith.constant 0xFF800000 : f32
      %broadcast_in_dim3A_397 = vector.broadcast %broadcast_in_dim3A_396 : f32 to vector<16xf32>
      tpu.vector_store_idx %arg7[%min3A_392, %add3A_395], %broadcast_in_dim3A_397 masked %and3A_386 : memref<168x128xf32, #tpu.memory_space<vmem>>[vector<16xi32>, vector<16xi32>], vector<16xf32>, vector<16xi1>
      %sub3A_398 = vector.broadcast %add3A_357 : i32 to vector<16xi32>
      %sub3A_399 = arith.subi %get3A_18, %sub3A_398 : vector<16xi32>
      %ge3A_400 = arith.constant 0 : i32
      %ge3A_401 = vector.broadcast %ge3A_400 : i32 to vector<16xi32>
      %ge3A_402 = arith.cmpi sge, %sub3A_399, %ge3A_401 : vector<16xi32>
      %lt3A_403 = arith.constant 168 : i32
      %lt3A_404 = vector.broadcast %lt3A_403 : i32 to vector<16xi32>
      %lt3A_405 = arith.cmpi slt, %sub3A_399, %lt3A_404 : vector<16xi32>
      %and3A_406 = arith.andi %ge3A_402, %lt3A_405 : vector<16xi1>
      %jit3A_407 = arith.constant 0 : i32
      %jit3A_408 = arith.constant 167 : i32
      %max3A_409 = vector.broadcast %jit3A_407 : i32 to vector<16xi32>
      %max3A_410 = arith.maxsi %max3A_409, %sub3A_399 : vector<16xi32>
      %min3A_411 = vector.broadcast %jit3A_408 : i32 to vector<16xi32>
      %min3A_412 = arith.minsi %min3A_411, %max3A_410 : vector<16xi32>
      %add3A_413 = arith.constant 32 : i32
      %add3A_414 = vector.broadcast %add3A_413 : i32 to vector<16xi32>
      %add3A_415 = arith.addi %iota3A, %add3A_414 : vector<16xi32>
      %broadcast_in_dim3A_416 = arith.constant 0xFF800000 : f32
      %broadcast_in_dim3A_417 = vector.broadcast %broadcast_in_dim3A_416 : f32 to vector<16xf32>
      tpu.vector_store_idx %arg7[%min3A_412, %add3A_415], %broadcast_in_dim3A_417 masked %and3A_406 : memref<168x128xf32, #tpu.memory_space<vmem>>[vector<16xi32>, vector<16xi32>], vector<16xf32>, vector<16xi1>
      %sub3A_418 = vector.broadcast %add3A_357 : i32 to vector<16xi32>
      %sub3A_419 = arith.subi %get3A_20, %sub3A_418 : vector<16xi32>
      %ge3A_420 = arith.constant 0 : i32
      %ge3A_421 = vector.broadcast %ge3A_420 : i32 to vector<16xi32>
      %ge3A_422 = arith.cmpi sge, %sub3A_419, %ge3A_421 : vector<16xi32>
      %lt3A_423 = arith.constant 168 : i32
      %lt3A_424 = vector.broadcast %lt3A_423 : i32 to vector<16xi32>
      %lt3A_425 = arith.cmpi slt, %sub3A_419, %lt3A_424 : vector<16xi32>
      %and3A_426 = arith.andi %ge3A_422, %lt3A_425 : vector<16xi1>
      %jit3A_427 = arith.constant 0 : i32
      %jit3A_428 = arith.constant 167 : i32
      %max3A_429 = vector.broadcast %jit3A_427 : i32 to vector<16xi32>
      %max3A_430 = arith.maxsi %max3A_429, %sub3A_419 : vector<16xi32>
      %min3A_431 = vector.broadcast %jit3A_428 : i32 to vector<16xi32>
      %min3A_432 = arith.minsi %min3A_431, %max3A_430 : vector<16xi32>
      %add3A_433 = arith.constant 48 : i32
      %add3A_434 = vector.broadcast %add3A_433 : i32 to vector<16xi32>
      %add3A_435 = arith.addi %iota3A, %add3A_434 : vector<16xi32>
      %broadcast_in_dim3A_436 = arith.constant 0xFF800000 : f32
      %broadcast_in_dim3A_437 = vector.broadcast %broadcast_in_dim3A_436 : f32 to vector<16xf32>
      tpu.vector_store_idx %arg7[%min3A_432, %add3A_435], %broadcast_in_dim3A_437 masked %and3A_426 : memref<168x128xf32, #tpu.memory_space<vmem>>[vector<16xi32>, vector<16xi32>], vector<16xf32>, vector<16xi1>
      %sub3A_438 = vector.broadcast %add3A_357 : i32 to vector<16xi32>
      %sub3A_439 = arith.subi %get3A_22, %sub3A_438 : vector<16xi32>
      %ge3A_440 = arith.constant 0 : i32
      %ge3A_441 = vector.broadcast %ge3A_440 : i32 to vector<16xi32>
      %ge3A_442 = arith.cmpi sge, %sub3A_439, %ge3A_441 : vector<16xi32>
      %lt3A_443 = arith.constant 168 : i32
      %lt3A_444 = vector.broadcast %lt3A_443 : i32 to vector<16xi32>
      %lt3A_445 = arith.cmpi slt, %sub3A_439, %lt3A_444 : vector<16xi32>
      %and3A_446 = arith.andi %ge3A_442, %lt3A_445 : vector<16xi1>
      %jit3A_447 = arith.constant 0 : i32
      %jit3A_448 = arith.constant 167 : i32
      %max3A_449 = vector.broadcast %jit3A_447 : i32 to vector<16xi32>
      %max3A_450 = arith.maxsi %max3A_449, %sub3A_439 : vector<16xi32>
      %min3A_451 = vector.broadcast %jit3A_448 : i32 to vector<16xi32>
      %min3A_452 = arith.minsi %min3A_451, %max3A_450 : vector<16xi32>
      %add3A_453 = arith.constant 64 : i32
      %add3A_454 = vector.broadcast %add3A_453 : i32 to vector<16xi32>
      %add3A_455 = arith.addi %iota3A, %add3A_454 : vector<16xi32>
      %broadcast_in_dim3A_456 = arith.constant 0xFF800000 : f32
      %broadcast_in_dim3A_457 = vector.broadcast %broadcast_in_dim3A_456 : f32 to vector<16xf32>
      tpu.vector_store_idx %arg7[%min3A_452, %add3A_455], %broadcast_in_dim3A_457 masked %and3A_446 : memref<168x128xf32, #tpu.memory_space<vmem>>[vector<16xi32>, vector<16xi32>], vector<16xf32>, vector<16xi1>
      %sub3A_458 = vector.broadcast %add3A_357 : i32 to vector<16xi32>
      %sub3A_459 = arith.subi %get3A_24, %sub3A_458 : vector<16xi32>
      %ge3A_460 = arith.constant 0 : i32
      %ge3A_461 = vector.broadcast %ge3A_460 : i32 to vector<16xi32>
      %ge3A_462 = arith.cmpi sge, %sub3A_459, %ge3A_461 : vector<16xi32>
      %lt3A_463 = arith.constant 168 : i32
      %lt3A_464 = vector.broadcast %lt3A_463 : i32 to vector<16xi32>
      %lt3A_465 = arith.cmpi slt, %sub3A_459, %lt3A_464 : vector<16xi32>
      %and3A_466 = arith.andi %ge3A_462, %lt3A_465 : vector<16xi1>
      %jit3A_467 = arith.constant 0 : i32
      %jit3A_468 = arith.constant 167 : i32
      %max3A_469 = vector.broadcast %jit3A_467 : i32 to vector<16xi32>
      %max3A_470 = arith.maxsi %max3A_469, %sub3A_459 : vector<16xi32>
      %min3A_471 = vector.broadcast %jit3A_468 : i32 to vector<16xi32>
      %min3A_472 = arith.minsi %min3A_471, %max3A_470 : vector<16xi32>
      %add3A_473 = arith.constant 80 : i32
      %add3A_474 = vector.broadcast %add3A_473 : i32 to vector<16xi32>
      %add3A_475 = arith.addi %iota3A, %add3A_474 : vector<16xi32>
      %broadcast_in_dim3A_476 = arith.constant 0xFF800000 : f32
      %broadcast_in_dim3A_477 = vector.broadcast %broadcast_in_dim3A_476 : f32 to vector<16xf32>
      tpu.vector_store_idx %arg7[%min3A_472, %add3A_475], %broadcast_in_dim3A_477 masked %and3A_466 : memref<168x128xf32, #tpu.memory_space<vmem>>[vector<16xi32>, vector<16xi32>], vector<16xf32>, vector<16xi1>
      %sub3A_478 = vector.broadcast %add3A_357 : i32 to vector<16xi32>
      %sub3A_479 = arith.subi %get3A_26, %sub3A_478 : vector<16xi32>
      %ge3A_480 = arith.constant 0 : i32
      %ge3A_481 = vector.broadcast %ge3A_480 : i32 to vector<16xi32>
      %ge3A_482 = arith.cmpi sge, %sub3A_479, %ge3A_481 : vector<16xi32>
      %lt3A_483 = arith.constant 168 : i32
      %lt3A_484 = vector.broadcast %lt3A_483 : i32 to vector<16xi32>
      %lt3A_485 = arith.cmpi slt, %sub3A_479, %lt3A_484 : vector<16xi32>
      %and3A_486 = arith.andi %ge3A_482, %lt3A_485 : vector<16xi1>
      %jit3A_487 = arith.constant 0 : i32
      %jit3A_488 = arith.constant 167 : i32
      %max3A_489 = vector.broadcast %jit3A_487 : i32 to vector<16xi32>
      %max3A_490 = arith.maxsi %max3A_489, %sub3A_479 : vector<16xi32>
      %min3A_491 = vector.broadcast %jit3A_488 : i32 to vector<16xi32>
      %min3A_492 = arith.minsi %min3A_491, %max3A_490 : vector<16xi32>
      %add3A_493 = arith.constant 96 : i32
      %add3A_494 = vector.broadcast %add3A_493 : i32 to vector<16xi32>
      %add3A_495 = arith.addi %iota3A, %add3A_494 : vector<16xi32>
      %broadcast_in_dim3A_496 = arith.constant 0xFF800000 : f32
      %broadcast_in_dim3A_497 = vector.broadcast %broadcast_in_dim3A_496 : f32 to vector<16xf32>
      tpu.vector_store_idx %arg7[%min3A_492, %add3A_495], %broadcast_in_dim3A_497 masked %and3A_486 : memref<168x128xf32, #tpu.memory_space<vmem>>[vector<16xi32>, vector<16xi32>], vector<16xf32>, vector<16xi1>
      %sub3A_498 = vector.broadcast %add3A_357 : i32 to vector<16xi32>
      %sub3A_499 = arith.subi %get3A_28, %sub3A_498 : vector<16xi32>
      %ge3A_500 = arith.constant 0 : i32
      %ge3A_501 = vector.broadcast %ge3A_500 : i32 to vector<16xi32>
      %ge3A_502 = arith.cmpi sge, %sub3A_499, %ge3A_501 : vector<16xi32>
      %lt3A_503 = arith.constant 168 : i32
      %lt3A_504 = vector.broadcast %lt3A_503 : i32 to vector<16xi32>
      %lt3A_505 = arith.cmpi slt, %sub3A_499, %lt3A_504 : vector<16xi32>
      %and3A_506 = arith.andi %ge3A_502, %lt3A_505 : vector<16xi1>
      %jit3A_507 = arith.constant 0 : i32
      %jit3A_508 = arith.constant 167 : i32
      %max3A_509 = vector.broadcast %jit3A_507 : i32 to vector<16xi32>
      %max3A_510 = arith.maxsi %max3A_509, %sub3A_499 : vector<16xi32>
      %min3A_511 = vector.broadcast %jit3A_508 : i32 to vector<16xi32>
      %min3A_512 = arith.minsi %min3A_511, %max3A_510 : vector<16xi32>
      %add3A_513 = arith.constant 112 : i32
      %add3A_514 = vector.broadcast %add3A_513 : i32 to vector<16xi32>
      %add3A_515 = arith.addi %iota3A, %add3A_514 : vector<16xi32>
      %broadcast_in_dim3A_516 = arith.constant 0xFF800000 : f32
      %broadcast_in_dim3A_517 = vector.broadcast %broadcast_in_dim3A_516 : f32 to vector<16xf32>
      tpu.vector_store_idx %arg7[%min3A_512, %add3A_515], %broadcast_in_dim3A_517 masked %and3A_506 : memref<168x128xf32, #tpu.memory_space<vmem>>[vector<16xi32>, vector<16xi32>], vector<16xf32>, vector<16xi1>
      %parallel_loop3A_518 = arith.constant 0 : i32
      %parallel_loop3A_519 = arith.constant 168 : i32
      %parallel_loop3A_520 = arith.constant 1 : i32
      %parallel_loop3A_521:8 = scf.for %parallel_loop3A_522 = %parallel_loop3A_518 to %parallel_loop3A_519 step %parallel_loop3A_520 iter_args(%parallel_loop3A_523 = %parallel_loop3A_337#0, %parallel_loop3A_524 = %parallel_loop3A_337#1, %parallel_loop3A_525 = %parallel_loop3A_337#2, %parallel_loop3A_526 = %parallel_loop3A_337#3, %parallel_loop3A_527 = %parallel_loop3A_337#4, %parallel_loop3A_528 = %parallel_loop3A_337#5, %parallel_loop3A_529 = %parallel_loop3A_337#6, %parallel_loop3A_530 = %parallel_loop3A_337#7) -> (vector<16xf32>, vector<16xf32>, vector<16xf32>, vector<16xf32>, vector<16xf32>, vector<16xf32>, vector<16xf32>, vector<16xf32>)  : i32 {
        %parallel_loop3A_531 = arith.index_cast %parallel_loop3A_522 : i32 to index
        %parallel_loop3A_532 = arith.constant 0 : index
        %parallel_loop3A_533 = tpu.vector_load %arg7[%parallel_loop3A_531, %parallel_loop3A_532] {strides = array<i32>} : memref<168x128xf32, #tpu.memory_space<vmem>>, vector<16xf32>,
        %parallel_loop3A_534 = arith.maximumf %parallel_loop3A_523, %parallel_loop3A_533 : vector<16xf32>
        %parallel_loop3A_535 = arith.index_cast %parallel_loop3A_522 : i32 to index
        %parallel_loop3A_536 = arith.constant 16 : index
        %parallel_loop3A_537 = tpu.vector_load %arg7[%parallel_loop3A_535, %parallel_loop3A_536] {strides = array<i32>} : memref<168x128xf32, #tpu.memory_space<vmem>>, vector<16xf32>,
        %parallel_loop3A_538 = arith.maximumf %parallel_loop3A_524, %parallel_loop3A_537 : vector<16xf32>
        %parallel_loop3A_539 = arith.index_cast %parallel_loop3A_522 : i32 to index
        %parallel_loop3A_540 = arith.constant 32 : index
        %parallel_loop3A_541 = tpu.vector_load %arg7[%parallel_loop3A_539, %parallel_loop3A_540] {strides = array<i32>} : memref<168x128xf32, #tpu.memory_space<vmem>>, vector<16xf32>,
        %parallel_loop3A_542 = arith.maximumf %parallel_loop3A_525, %parallel_loop3A_541 : vector<16xf32>
        %parallel_loop3A_543 = arith.index_cast %parallel_loop3A_522 : i32 to index
        %parallel_loop3A_544 = arith.constant 48 : index
        %parallel_loop3A_545 = tpu.vector_load %arg7[%parallel_loop3A_543, %parallel_loop3A_544] {strides = array<i32>} : memref<168x128xf32, #tpu.memory_space<vmem>>, vector<16xf32>,
        %parallel_loop3A_546 = arith.maximumf %parallel_loop3A_526, %parallel_loop3A_545 : vector<16xf32>
        %parallel_loop3A_547 = arith.index_cast %parallel_loop3A_522 : i32 to index
        %parallel_loop3A_548 = arith.constant 64 : index
        %parallel_loop3A_549 = tpu.vector_load %arg7[%parallel_loop3A_547, %parallel_loop3A_548] {strides = array<i32>} : memref<168x128xf32, #tpu.memory_space<vmem>>, vector<16xf32>,
        %parallel_loop3A_550 = arith.maximumf %parallel_loop3A_527, %parallel_loop3A_549 : vector<16xf32>
        %parallel_loop3A_551 = arith.index_cast %parallel_loop3A_522 : i32 to index
        %parallel_loop3A_552 = arith.constant 80 : index
        %parallel_loop3A_553 = tpu.vector_load %arg7[%parallel_loop3A_551, %parallel_loop3A_552] {strides = array<i32>} : memref<168x128xf32, #tpu.memory_space<vmem>>, vector<16xf32>,
        %parallel_loop3A_554 = arith.maximumf %parallel_loop3A_528, %parallel_loop3A_553 : vector<16xf32>
        %parallel_loop3A_555 = arith.index_cast %parallel_loop3A_522 : i32 to index
        %parallel_loop3A_556 = arith.constant 96 : index
        %parallel_loop3A_557 = tpu.vector_load %arg7[%parallel_loop3A_555, %parallel_loop3A_556] {strides = array<i32>} : memref<168x128xf32, #tpu.memory_space<vmem>>, vector<16xf32>,
        %parallel_loop3A_558 = arith.maximumf %parallel_loop3A_529, %parallel_loop3A_557 : vector<16xf32>
        %parallel_loop3A_559 = arith.index_cast %parallel_loop3A_522 : i32 to index
        %parallel_loop3A_560 = arith.constant 112 : index
        %parallel_loop3A_561 = tpu.vector_load %arg7[%parallel_loop3A_559, %parallel_loop3A_560] {strides = array<i32>} : memref<168x128xf32, #tpu.memory_space<vmem>>, vector<16xf32>,
        %parallel_loop3A_562 = arith.maximumf %parallel_loop3A_530, %parallel_loop3A_561 : vector<16xf32>
        scf.yield %parallel_loop3A_534, %parallel_loop3A_538, %parallel_loop3A_542, %parallel_loop3A_546, %parallel_loop3A_550, %parallel_loop3A_554, %parallel_loop3A_558, %parallel_loop3A_562 : vector<16xf32>, vector<16xf32>, vector<16xf32>, vector<16xf32>, vector<16xf32>, vector<16xf32>, vector<16xf32>, vector<16xf32>
      } {sc.loop_unroll_factor = 1 : i64, sc.parallel_access}
      scf.yield %parallel_loop3A_521#0, %parallel_loop3A_521#1, %parallel_loop3A_521#2, %parallel_loop3A_521#3, %parallel_loop3A_521#4, %parallel_loop3A_521#5, %parallel_loop3A_521#6, %parallel_loop3A_521#7 : vector<16xf32>, vector<16xf32>, vector<16xf32>, vector<16xf32>, vector<16xf32>, vector<16xf32>, vector<16xf32>, vector<16xf32>
    }
    %scan3A_62 = arith.constant 4 : i32
    %swap3A = arith.constant 0 : i32
    %swap3A_63 = arith.index_cast %swap3A : i32 to index
    %swap3A_64 = arith.constant 0 : index
    %swap3A_65 = tpu.vector_load %arg9[%swap3A_63, %swap3A_64] {strides = array<i32>} : memref<2x128xf32, #tpu.memory_space<vmem>>, vector<16xf32>,
    tpu.vector_store %arg9[%swap3A_63, %swap3A_64], %scan3A_61#0 {strides = array<i32>} : memref<2x128xf32, #tpu.memory_space<vmem>>, vector<16xf32>,
    %broadcast_in_dim3A_66 = arith.constant 0xFF800000 : f32
    %broadcast_in_dim3A_67 = vector.broadcast %broadcast_in_dim3A_66 : f32 to vector<16xf32>
    %swap3A_68 = arith.constant 1 : i32
    %swap3A_69 = arith.index_cast %swap3A_68 : i32 to index
    %swap3A_70 = arith.constant 0 : index
    %swap3A_71 = tpu.vector_load %arg9[%swap3A_69, %swap3A_70] {strides = array<i32>} : memref<2x128xf32, #tpu.memory_space<vmem>>, vector<16xf32>,
    tpu.vector_store %arg9[%swap3A_69, %swap3A_70], %broadcast_in_dim3A_67 {strides = array<i32>} : memref<2x128xf32, #tpu.memory_space<vmem>>, vector<16xf32>,
    %swap3A_72 = arith.constant 0 : i32
    %swap3A_73 = arith.index_cast %swap3A_72 : i32 to index
    %swap3A_74 = arith.constant 16 : index
    %swap3A_75 = tpu.vector_load %arg9[%swap3A_73, %swap3A_74] {strides = array<i32>} : memref<2x128xf32, #tpu.memory_space<vmem>>, vector<16xf32>,
    tpu.vector_store %arg9[%swap3A_73, %swap3A_74], %scan3A_61#1 {strides = array<i32>} : memref<2x128xf32, #tpu.memory_space<vmem>>, vector<16xf32>,
    %broadcast_in_dim3A_76 = arith.constant 0xFF800000 : f32
    %broadcast_in_dim3A_77 = vector.broadcast %broadcast_in_dim3A_76 : f32 to vector<16xf32>
    %swap3A_78 = arith.constant 1 : i32
    %swap3A_79 = arith.index_cast %swap3A_78 : i32 to index
    %swap3A_80 = arith.constant 16 : index
    %swap3A_81 = tpu.vector_load %arg9[%swap3A_79, %swap3A_80] {strides = array<i32>} : memref<2x128xf32, #tpu.memory_space<vmem>>, vector<16xf32>,
    tpu.vector_store %arg9[%swap3A_79, %swap3A_80], %broadcast_in_dim3A_77 {strides = array<i32>} : memref<2x128xf32, #tpu.memory_space<vmem>>, vector<16xf32>,
    %swap3A_82 = arith.constant 0 : i32
    %swap3A_83 = arith.index_cast %swap3A_82 : i32 to index
    %swap3A_84 = arith.constant 32 : index
    %swap3A_85 = tpu.vector_load %arg9[%swap3A_83, %swap3A_84] {strides = array<i32>} : memref<2x128xf32, #tpu.memory_space<vmem>>, vector<16xf32>,
    tpu.vector_store %arg9[%swap3A_83, %swap3A_84], %scan3A_61#2 {strides = array<i32>} : memref<2x128xf32, #tpu.memory_space<vmem>>, vector<16xf32>,
    %broadcast_in_dim3A_86 = arith.constant 0xFF800000 : f32
    %broadcast_in_dim3A_87 = vector.broadcast %broadcast_in_dim3A_86 : f32 to vector<16xf32>
    %swap3A_88 = arith.constant 1 : i32
    %swap3A_89 = arith.index_cast %swap3A_88 : i32 to index
    %swap3A_90 = arith.constant 32 : index
    %swap3A_91 = tpu.vector_load %arg9[%swap3A_89, %swap3A_90] {strides = array<i32>} : memref<2x128xf32, #tpu.memory_space<vmem>>, vector<16xf32>,
    tpu.vector_store %arg9[%swap3A_89, %swap3A_90], %broadcast_in_dim3A_87 {strides = array<i32>} : memref<2x128xf32, #tpu.memory_space<vmem>>, vector<16xf32>,
    %swap3A_92 = arith.constant 0 : i32
    %swap3A_93 = arith.index_cast %swap3A_92 : i32 to index
    %swap3A_94 = arith.constant 48 : index
    %swap3A_95 = tpu.vector_load %arg9[%swap3A_93, %swap3A_94] {strides = array<i32>} : memref<2x128xf32, #tpu.memory_space<vmem>>, vector<16xf32>,
    tpu.vector_store %arg9[%swap3A_93, %swap3A_94], %scan3A_61#3 {strides = array<i32>} : memref<2x128xf32, #tpu.memory_space<vmem>>, vector<16xf32>,
    %broadcast_in_dim3A_96 = arith.constant 0xFF800000 : f32
    %broadcast_in_dim3A_97 = vector.broadcast %broadcast_in_dim3A_96 : f32 to vector<16xf32>
    %swap3A_98 = arith.constant 1 : i32
    %swap3A_99 = arith.index_cast %swap3A_98 : i32 to index
    %swap3A_100 = arith.constant 48 : index
    %swap3A_101 = tpu.vector_load %arg9[%swap3A_99, %swap3A_100] {strides = array<i32>} : memref<2x128xf32, #tpu.memory_space<vmem>>, vector<16xf32>,
    tpu.vector_store %arg9[%swap3A_99, %swap3A_100], %broadcast_in_dim3A_97 {strides = array<i32>} : memref<2x128xf32, #tpu.memory_space<vmem>>, vector<16xf32>,
    %swap3A_102 = arith.constant 0 : i32
    %swap3A_103 = arith.index_cast %swap3A_102 : i32 to index
    %swap3A_104 = arith.constant 64 : index
    %swap3A_105 = tpu.vector_load %arg9[%swap3A_103, %swap3A_104] {strides = array<i32>} : memref<2x128xf32, #tpu.memory_space<vmem>>, vector<16xf32>,
    tpu.vector_store %arg9[%swap3A_103, %swap3A_104], %scan3A_61#4 {strides = array<i32>} : memref<2x128xf32, #tpu.memory_space<vmem>>, vector<16xf32>,
    %broadcast_in_dim3A_106 = arith.constant 0xFF800000 : f32
    %broadcast_in_dim3A_107 = vector.broadcast %broadcast_in_dim3A_106 : f32 to vector<16xf32>
    %swap3A_108 = arith.constant 1 : i32
    %swap3A_109 = arith.index_cast %swap3A_108 : i32 to index
    %swap3A_110 = arith.constant 64 : index
    %swap3A_111 = tpu.vector_load %arg9[%swap3A_109, %swap3A_110] {strides = array<i32>} : memref<2x128xf32, #tpu.memory_space<vmem>>, vector<16xf32>,
    tpu.vector_store %arg9[%swap3A_109, %swap3A_110], %broadcast_in_dim3A_107 {strides = array<i32>} : memref<2x128xf32, #tpu.memory_space<vmem>>, vector<16xf32>,
    %swap3A_112 = arith.constant 0 : i32
    %swap3A_113 = arith.index_cast %swap3A_112 : i32 to index
    %swap3A_114 = arith.constant 80 : index
    %swap3A_115 = tpu.vector_load %arg9[%swap3A_113, %swap3A_114] {strides = array<i32>} : memref<2x128xf32, #tpu.memory_space<vmem>>, vector<16xf32>,
    tpu.vector_store %arg9[%swap3A_113, %swap3A_114], %scan3A_61#5 {strides = array<i32>} : memref<2x128xf32, #tpu.memory_space<vmem>>, vector<16xf32>,
    %broadcast_in_dim3A_116 = arith.constant 0xFF800000 : f32
    %broadcast_in_dim3A_117 = vector.broadcast %broadcast_in_dim3A_116 : f32 to vector<16xf32>
    %swap3A_118 = arith.constant 1 : i32
    %swap3A_119 = arith.index_cast %swap3A_118 : i32 to index
    %swap3A_120 = arith.constant 80 : index
    %swap3A_121 = tpu.vector_load %arg9[%swap3A_119, %swap3A_120] {strides = array<i32>} : memref<2x128xf32, #tpu.memory_space<vmem>>, vector<16xf32>,
    tpu.vector_store %arg9[%swap3A_119, %swap3A_120], %broadcast_in_dim3A_117 {strides = array<i32>} : memref<2x128xf32, #tpu.memory_space<vmem>>, vector<16xf32>,
    %swap3A_122 = arith.constant 0 : i32
    %swap3A_123 = arith.index_cast %swap3A_122 : i32 to index
    %swap3A_124 = arith.constant 96 : index
    %swap3A_125 = tpu.vector_load %arg9[%swap3A_123, %swap3A_124] {strides = array<i32>} : memref<2x128xf32, #tpu.memory_space<vmem>>, vector<16xf32>,
    tpu.vector_store %arg9[%swap3A_123, %swap3A_124], %scan3A_61#6 {strides = array<i32>} : memref<2x128xf32, #tpu.memory_space<vmem>>, vector<16xf32>,
    %broadcast_in_dim3A_126 = arith.constant 0xFF800000 : f32
    %broadcast_in_dim3A_127 = vector.broadcast %broadcast_in_dim3A_126 : f32 to vector<16xf32>
    %swap3A_128 = arith.constant 1 : i32
    %swap3A_129 = arith.index_cast %swap3A_128 : i32 to index
    %swap3A_130 = arith.constant 96 : index
    %swap3A_131 = tpu.vector_load %arg9[%swap3A_129, %swap3A_130] {strides = array<i32>} : memref<2x128xf32, #tpu.memory_space<vmem>>, vector<16xf32>,
    tpu.vector_store %arg9[%swap3A_129, %swap3A_130], %broadcast_in_dim3A_127 {strides = array<i32>} : memref<2x128xf32, #tpu.memory_space<vmem>>, vector<16xf32>,
    %swap3A_132 = arith.constant 0 : i32
    %swap3A_133 = arith.index_cast %swap3A_132 : i32 to index
    %swap3A_134 = arith.constant 112 : index
    %swap3A_135 = tpu.vector_load %arg9[%swap3A_133, %swap3A_134] {strides = array<i32>} : memref<2x128xf32, #tpu.memory_space<vmem>>, vector<16xf32>,
    tpu.vector_store %arg9[%swap3A_133, %swap3A_134], %scan3A_61#7 {strides = array<i32>} : memref<2x128xf32, #tpu.memory_space<vmem>>, vector<16xf32>,
    %broadcast_in_dim3A_136 = arith.constant 0xFF800000 : f32
    %broadcast_in_dim3A_137 = vector.broadcast %broadcast_in_dim3A_136 : f32 to vector<16xf32>
    %swap3A_138 = arith.constant 1 : i32
    %swap3A_139 = arith.index_cast %swap3A_138 : i32 to index
    %swap3A_140 = arith.constant 112 : index
    %swap3A_141 = tpu.vector_load %arg9[%swap3A_139, %swap3A_140] {strides = array<i32>} : memref<2x128xf32, #tpu.memory_space<vmem>>, vector<16xf32>,
    tpu.vector_store %arg9[%swap3A_139, %swap3A_140], %broadcast_in_dim3A_137 {strides = array<i32>} : memref<2x128xf32, #tpu.memory_space<vmem>>, vector<16xf32>,
    %dma_wait3A = arith.constant 0 : i32
    %dma_wait3A_142 = arith.constant 0 : i32
    %dma_wait3A_143 = tpu.memref_slice %arg2[%dma_wait3A, %dma_wait3A_142] : memref<100000x128xf32, #tpu.memory_space<hbm>> -> memref<100000x128xf32, #tpu.memory_space<hbm>>
    tpu.wait_indirect_dma semaphore(%arg12 : memref<!tpu.dma_semaphore, #tpu.memory_space<semaphore_mem>>) src(%dma_wait3A_143 : memref<100000x128xf32, #tpu.memory_space<hbm>>) dst(%arg8 : memref<16x128xf32, #tpu.memory_space<vmem>>)
    %gather3A_144 = tpu.vector_load_idx %arg8[%and3A_7, %add3A_11] : memref<16x128xf32, #tpu.memory_space<vmem>>[vector<16xi32>, vector<16xi32>], vector<16xf32>,
    %broadcast_in_dim3A_145 = arith.constant 1 : i32
    %broadcast_in_dim3A_146 = vector.broadcast %broadcast_in_dim3A_145 : i32 to vector<16xi32>
    %lt3A_147 = arith.constant 4 : i32
    %lt3A_148 = vector.broadcast %lt3A_147 : i32 to vector<16xi32>
    %lt3A_149 = arith.cmpi slt, %iota3A, %lt3A_148 : vector<16xi32>
    tpu.vector_store_idx %arg9[%broadcast_in_dim3A_146, %add3A_11], %gather3A_144 masked %lt3A_149 : memref<2x128xf32, #tpu.memory_space<vmem>>[vector<16xi32>, vector<16xi32>], vector<16xf32>, vector<16xi1>
    "tpu.region"() ({
      %run_scoped3A = tpu.sem_alloc : memref<!tpu.dma_semaphore, #tpu.memory_space<semaphore_mem>>
      %dma_start3A_150 = arith.constant 0 : i32
      %dma_start3A_151 = arith.constant 0 : i32
      %dma_start3A_152 = tpu.memref_slice %arg4[%add3A, %dma_start3A_150, %dma_start3A_151] : memref<32x2x128xf32, #tpu.memory_space<hbm>> -> memref<1x2x128xf32, #tpu.memory_space<hbm>>
      %dma_start3A_153 = tpu.memref_squeeze %dma_start3A_152 : memref<1x2x128xf32, #tpu.memory_space<hbm>> -> memref<2x128xf32, #tpu.memory_space<hbm>>
      %dma_start3A_154 = arith.constant 0 : i32
      %dma_start3A_155 = arith.constant 0 : i32
      %dma_start3A_156 = tpu.memref_slice %arg4[%add3A, %dma_start3A_154, %dma_start3A_155] : memref<32x2x128xf32, #tpu.memory_space<hbm>> -> memref<1x2x128xf32, #tpu.memory_space<hbm>>
      %dma_start3A_157 = tpu.memref_squeeze %dma_start3A_156 : memref<1x2x128xf32, #tpu.memory_space<hbm>> -> memref<2x128xf32, #tpu.memory_space<hbm>>
      tpu.enqueue_dma source(%arg9 : memref<2x128xf32, #tpu.memory_space<vmem>>) target(%dma_start3A_157 : memref<2x128xf32, #tpu.memory_space<hbm>>) target_semaphore(%run_scoped3A : memref<!tpu.dma_semaphore, #tpu.memory_space<semaphore_mem>>)
      %dma_wait3A_158 = arith.constant 0 : i32
      %dma_wait3A_159 = arith.constant 0 : i32
      %dma_wait3A_160 = tpu.memref_slice %arg4[%add3A, %dma_wait3A_158, %dma_wait3A_159] : memref<32x2x128xf32, #tpu.memory_space<hbm>> -> memref<1x2x128xf32, #tpu.memory_space<hbm>>
      %dma_wait3A_161 = tpu.memref_squeeze %dma_wait3A_160 : memref<1x2x128xf32, #tpu.memory_space<hbm>> -> memref<2x128xf32, #tpu.memory_space<hbm>>
      %dma_wait3A_162 = arith.constant 0 : i32
      %dma_wait3A_163 = arith.constant 0 : i32
      %dma_wait3A_164 = tpu.memref_slice %arg4[%add3A, %dma_wait3A_162, %dma_wait3A_163] : memref<32x2x128xf32, #tpu.memory_space<hbm>> -> memref<1x2x128xf32, #tpu.memory_space<hbm>>
      %dma_wait3A_165 = tpu.memref_squeeze %dma_wait3A_164 : memref<1x2x128xf32, #tpu.memory_space<hbm>> -> memref<2x128xf32, #tpu.memory_space<hbm>>
      tpu.wait_dma2 semaphore(%run_scoped3A : memref<!tpu.dma_semaphore, #tpu.memory_space<semaphore_mem>>) src(%arg9 : memref<2x128xf32, #tpu.memory_space<vmem>>) dst(%dma_wait3A_165 : memref<2x128xf32, #tpu.memory_space<hbm>>)
      tpu.yield
    }) : () -> ()
    return
  }
}

module attributes {stable_mosaic.version = 14 : i64} {
  func.func @_fin_body(%arg0: memref<32x2x128xf32, #tpu.memory_space<vmem>>, %arg1: memref<16x128xf32, #tpu.memory_space<vmem>>, %arg2: memref<1x128xi32, #tpu.memory_space<vmem>>, %arg3: memref<1x1xf32, #tpu.memory_space<vmem>>) attributes {dimension_semantics = [], scalar_prefetch = 0 : i64, scratch_operands = 0 : i64, tpu.core_type = #tpu.core_type<tc>} {
    %get3A = arith.constant 0 : index
    %get3A_0 = arith.constant 0 : index
    %get3A_1 = arith.constant 0 : index
    %get3A_2 = vector.load %arg0[%get3A, %get3A_0, %get3A_1] : memref<32x2x128xf32, #tpu.memory_space<vmem>>, vector<32x1x128xf32>
    %get3A_3 = vector.shape_cast %get3A_2 : vector<32x1x128xf32> to vector<32x128xf32>
    %reduce_max3A = arith.constant dense<0xFF800000> : vector<128xf32>
    %reduce_max3A_4 = vector.multi_reduction <maximumf>, %get3A_3, %reduce_max3A [0] : vector<32x128xf32> to vector<128xf32>
    %get3A_5 = arith.constant 0 : index
    %get3A_6 = arith.constant 1 : index
    %get3A_7 = arith.constant 0 : index
    %get3A_8 = vector.load %arg0[%get3A_5, %get3A_6, %get3A_7] : memref<32x2x128xf32, #tpu.memory_space<vmem>>, vector<32x1x128xf32>
    %get3A_9 = vector.shape_cast %get3A_8 : vector<32x1x128xf32> to vector<32x128xf32>
    %reduce_max3A_10 = arith.constant dense<0xFF800000> : vector<128xf32>
    %reduce_max3A_11 = vector.multi_reduction <maximumf>, %get3A_9, %reduce_max3A_10 [0] : vector<32x128xf32> to vector<128xf32>
    %get3A_12 = arith.constant 0 : index
    %get3A_13 = arith.constant 0 : index
    %get3A_14 = vector.load %arg1[%get3A_12, %get3A_13] : memref<16x128xf32, #tpu.memory_space<vmem>>, vector<1x128xf32>
    %get3A_15 = arith.constant 8 : index
    %get3A_16 = arith.constant 0 : index
    %get3A_17 = vector.load %arg1[%get3A_15, %get3A_16] : memref<16x128xf32, #tpu.memory_space<vmem>>, vector<1x128xf32>
    %get3A_18 = arith.constant 1 : index
    %get3A_19 = arith.constant 0 : index
    %get3A_20 = vector.load %arg1[%get3A_18, %get3A_19] : memref<16x128xf32, #tpu.memory_space<vmem>>, vector<1x128xf32>
    %get3A_21 = arith.constant 9 : index
    %get3A_22 = arith.constant 0 : index
    %get3A_23 = vector.load %arg1[%get3A_21, %get3A_22] : memref<16x128xf32, #tpu.memory_space<vmem>>, vector<1x128xf32>
    %max3A = arith.maximumf %get3A_14, %get3A_20 : vector<1x128xf32>
    %min3A = arith.minimumf %get3A_14, %get3A_20 : vector<1x128xf32>
    %max3A_24 = arith.maximumf %get3A_17, %get3A_23 : vector<1x128xf32>
    %max3A_25 = arith.maximumf %min3A, %max3A_24 : vector<1x128xf32>
    %get3A_26 = arith.constant 2 : index
    %get3A_27 = arith.constant 0 : index
    %get3A_28 = vector.load %arg1[%get3A_26, %get3A_27] : memref<16x128xf32, #tpu.memory_space<vmem>>, vector<1x128xf32>
    %get3A_29 = arith.constant 10 : index
    %get3A_30 = arith.constant 0 : index
    %get3A_31 = vector.load %arg1[%get3A_29, %get3A_30] : memref<16x128xf32, #tpu.memory_space<vmem>>, vector<1x128xf32>
    %max3A_32 = arith.maximumf %max3A, %get3A_28 : vector<1x128xf32>
    %min3A_33 = arith.minimumf %max3A, %get3A_28 : vector<1x128xf32>
    %max3A_34 = arith.maximumf %max3A_25, %get3A_31 : vector<1x128xf32>
    %max3A_35 = arith.maximumf %min3A_33, %max3A_34 : vector<1x128xf32>
    %get3A_36 = arith.constant 3 : index
    %get3A_37 = arith.constant 0 : index
    %get3A_38 = vector.load %arg1[%get3A_36, %get3A_37] : memref<16x128xf32, #tpu.memory_space<vmem>>, vector<1x128xf32>
    %get3A_39 = arith.constant 11 : index
    %get3A_40 = arith.constant 0 : index
    %get3A_41 = vector.load %arg1[%get3A_39, %get3A_40] : memref<16x128xf32, #tpu.memory_space<vmem>>, vector<1x128xf32>
    %max3A_42 = arith.maximumf %max3A_32, %get3A_38 : vector<1x128xf32>
    %min3A_43 = arith.minimumf %max3A_32, %get3A_38 : vector<1x128xf32>
    %max3A_44 = arith.maximumf %max3A_35, %get3A_41 : vector<1x128xf32>
    %max3A_45 = arith.maximumf %min3A_43, %max3A_44 : vector<1x128xf32>
    %get3A_46 = arith.constant 4 : index
    %get3A_47 = arith.constant 0 : index
    %get3A_48 = vector.load %arg1[%get3A_46, %get3A_47] : memref<16x128xf32, #tpu.memory_space<vmem>>, vector<1x128xf32>
    %get3A_49 = arith.constant 12 : index
    %get3A_50 = arith.constant 0 : index
    %get3A_51 = vector.load %arg1[%get3A_49, %get3A_50] : memref<16x128xf32, #tpu.memory_space<vmem>>, vector<1x128xf32>
    %max3A_52 = arith.maximumf %max3A_42, %get3A_48 : vector<1x128xf32>
    %min3A_53 = arith.minimumf %max3A_42, %get3A_48 : vector<1x128xf32>
    %max3A_54 = arith.maximumf %max3A_45, %get3A_51 : vector<1x128xf32>
    %max3A_55 = arith.maximumf %min3A_53, %max3A_54 : vector<1x128xf32>
    %get3A_56 = arith.constant 5 : index
    %get3A_57 = arith.constant 0 : index
    %get3A_58 = vector.load %arg1[%get3A_56, %get3A_57] : memref<16x128xf32, #tpu.memory_space<vmem>>, vector<1x128xf32>
    %get3A_59 = arith.constant 13 : index
    %get3A_60 = arith.constant 0 : index
    %get3A_61 = vector.load %arg1[%get3A_59, %get3A_60] : memref<16x128xf32, #tpu.memory_space<vmem>>, vector<1x128xf32>
    %max3A_62 = arith.maximumf %max3A_52, %get3A_58 : vector<1x128xf32>
    %min3A_63 = arith.minimumf %max3A_52, %get3A_58 : vector<1x128xf32>
    %max3A_64 = arith.maximumf %max3A_55, %get3A_61 : vector<1x128xf32>
    %max3A_65 = arith.maximumf %min3A_63, %max3A_64 : vector<1x128xf32>
    %get3A_66 = arith.constant 6 : index
    %get3A_67 = arith.constant 0 : index
    %get3A_68 = vector.load %arg1[%get3A_66, %get3A_67] : memref<16x128xf32, #tpu.memory_space<vmem>>, vector<1x128xf32>
    %get3A_69 = arith.constant 14 : index
    %get3A_70 = arith.constant 0 : index
    %get3A_71 = vector.load %arg1[%get3A_69, %get3A_70] : memref<16x128xf32, #tpu.memory_space<vmem>>, vector<1x128xf32>
    %max3A_72 = arith.maximumf %max3A_62, %get3A_68 : vector<1x128xf32>
    %min3A_73 = arith.minimumf %max3A_62, %get3A_68 : vector<1x128xf32>
    %max3A_74 = arith.maximumf %max3A_65, %get3A_71 : vector<1x128xf32>
    %max3A_75 = arith.maximumf %min3A_73, %max3A_74 : vector<1x128xf32>
    %get3A_76 = arith.constant 7 : index
    %get3A_77 = arith.constant 0 : index
    %get3A_78 = vector.load %arg1[%get3A_76, %get3A_77] : memref<16x128xf32, #tpu.memory_space<vmem>>, vector<1x128xf32>
    %get3A_79 = arith.constant 15 : index
    %get3A_80 = arith.constant 0 : index
    %get3A_81 = vector.load %arg1[%get3A_79, %get3A_80] : memref<16x128xf32, #tpu.memory_space<vmem>>, vector<1x128xf32>
    %max3A_82 = arith.maximumf %max3A_72, %get3A_78 : vector<1x128xf32>
    %min3A_83 = arith.minimumf %max3A_72, %get3A_78 : vector<1x128xf32>
    %max3A_84 = arith.maximumf %max3A_75, %get3A_81 : vector<1x128xf32>
    %max3A_85 = arith.maximumf %min3A_83, %max3A_84 : vector<1x128xf32>
    %squeeze3A = vector.shape_cast %max3A_82 : vector<1x128xf32> to vector<128xf32>
    %squeeze3A_86 = vector.shape_cast %max3A_85 : vector<1x128xf32> to vector<128xf32>
    %get3A_87 = arith.constant 0 : index
    %get3A_88 = arith.constant 0 : index
    %get3A_89 = vector.load %arg2[%get3A_87, %get3A_88] : memref<1x128xi32, #tpu.memory_space<vmem>>, vector<1x128xi32>
    %get3A_90 = vector.shape_cast %get3A_89 : vector<1x128xi32> to vector<128xi32>
    %lt3A = arith.constant 57344 : i32
    %lt3A_91 = vector.broadcast %lt3A : i32 to vector<128xi32>
    %lt3A_92 = arith.cmpi slt, %get3A_90, %lt3A_91 : vector<128xi32>
    %eq3A = arith.cmpf oeq, %reduce_max3A_11, %squeeze3A : vector<128xf32>
    %and3A = arith.andi %lt3A_92, %eq3A : vector<128xi1>
    %select_n3A = arith.select %and3A, %squeeze3A_86, %squeeze3A : vector<128xi1>, vector<128xf32>
    %max3A_93 = arith.maximumf %reduce_max3A_4, %select_n3A : vector<128xf32>
    %sub3A = arith.subf %max3A_93, %reduce_max3A_11 : vector<128xf32>
    %reduce_sum3A = vector.shape_cast %sub3A : vector<128xf32> to vector<1x128xf32>
    %reduce_sum3A_94 = arith.constant dense<0.000000e+00> : vector<1xf32>
    %reduce_sum3A_95 = vector.multi_reduction <add>, %reduce_sum3A, %reduce_sum3A_94 [1] : vector<1x128xf32> to vector<1xf32>
    %reduce_sum3A_96 = vector.shape_cast %reduce_sum3A_95 : vector<1xf32> to vector<1x1xf32>
    %reduce_sum3A_97 = vector.extract %reduce_sum3A_96[0, 0] : f32 from vector<1x1xf32>
    %reshape3A = vector.broadcast %reduce_sum3A_97 : f32 to vector<1x1xf32>
    %swap3A = arith.constant 0 : index
    %swap3A_98 = arith.constant 0 : index
    %swap3A_99 = vector.load %arg3[%swap3A, %swap3A_98] : memref<1x1xf32, #tpu.memory_space<vmem>>, vector<1x1xf32>
    tpu.vector_store %arg3[%swap3A, %swap3A_98], %reshape3A {strides = array<i32>} : memref<1x1xf32, #tpu.memory_space<vmem>>, vector<1x1xf32>,
    return
  }
}

module attributes {stable_mosaic.version = 14 : i64} {
  func.func @_tc_body(%arg0: i32, %arg1: memref<4096x128xf32, #tpu.memory_space<vmem>>, %arg2: memref<16x128xf32, #tpu.memory_space<vmem>>) attributes {dimension_semantics = [#tpu.dimension_semantics<arbitrary>], iteration_bounds = array<i64: 14>, scalar_prefetch = 0 : i64, scratch_operands = 0 : i64, tpu.core_type = #tpu.core_type<tc>, window_params = [{transform_indices = @transform_0, window_bounds = array<i64: 4096, 128>}, {pipeline_mode = #tpu.pipeline_mode<synchronous>, transform_indices = @transform_1, window_bounds = array<i64: 16, 128>}]} {
    %eq3A = arith.constant 0 : i32
    %eq3A_0 = arith.cmpi eq, %arg0, %eq3A : i32
    %convert_element_type3A = arith.extui %eq3A_0 : i1 to i32
    %cond3A = arith.constant 0 : i32
    %cond3A_1 = arith.cmpi ne, %convert_element_type3A, %cond3A : i32
    scf.if %cond3A_1 {
      %broadcast_in_dim3A = arith.constant 0xFF800000 : f32
      %broadcast_in_dim3A_84 = vector.broadcast %broadcast_in_dim3A : f32 to vector<16x128xf32>
      %swap3A_85 = arith.constant 0 : index
      %swap3A_86 = arith.constant 0 : index
      %swap3A_87 = vector.load %arg2[%swap3A_85, %swap3A_86] : memref<16x128xf32, #tpu.memory_space<vmem>>, vector<16x128xf32>
      tpu.vector_store %arg2[%swap3A_85, %swap3A_86], %broadcast_in_dim3A_84 {strides = array<i32>} : memref<16x128xf32, #tpu.memory_space<vmem>>, vector<16x128xf32>,
    } else {
    }
    %get3A = arith.constant 0 : index
    %get3A_2 = arith.constant 0 : index
    %get3A_3 = vector.load %arg1[%get3A, %get3A_2] : memref<4096x128xf32, #tpu.memory_space<vmem>>, vector<4096x128xf32>
    %slice3A = vector.extract_strided_slice %get3A_3 {offsets = [0, 0], sizes = [2048, 128], strides = [1, 1]} : vector<4096x128xf32> to vector<2048x128xf32>
    %slice3A_4 = vector.extract_strided_slice %get3A_3 {offsets = [2048, 0], sizes = [2048, 128], strides = [1, 1]} : vector<4096x128xf32> to vector<2048x128xf32>
    %max3A = arith.maximumf %slice3A, %slice3A_4 : vector<2048x128xf32>
    %min3A = arith.minimumf %slice3A, %slice3A_4 : vector<2048x128xf32>
    %slice3A_5 = vector.extract_strided_slice %max3A {offsets = [0, 0], sizes = [1024, 128], strides = [1, 1]} : vector<2048x128xf32> to vector<1024x128xf32>
    %slice3A_6 = vector.extract_strided_slice %max3A {offsets = [1024, 0], sizes = [1024, 128], strides = [1, 1]} : vector<2048x128xf32> to vector<1024x128xf32>
    %slice3A_7 = vector.extract_strided_slice %min3A {offsets = [0, 0], sizes = [1024, 128], strides = [1, 1]} : vector<2048x128xf32> to vector<1024x128xf32>
    %slice3A_8 = vector.extract_strided_slice %min3A {offsets = [1024, 0], sizes = [1024, 128], strides = [1, 1]} : vector<2048x128xf32> to vector<1024x128xf32>
    %max3A_9 = arith.maximumf %slice3A_5, %slice3A_6 : vector<1024x128xf32>
    %min3A_10 = arith.minimumf %slice3A_5, %slice3A_6 : vector<1024x128xf32>
    %max3A_11 = arith.maximumf %slice3A_7, %slice3A_8 : vector<1024x128xf32>
    %max3A_12 = arith.maximumf %min3A_10, %max3A_11 : vector<1024x128xf32>
    %slice3A_13 = vector.extract_strided_slice %max3A_9 {offsets = [0, 0], sizes = [512, 128], strides = [1, 1]} : vector<1024x128xf32> to vector<512x128xf32>
    %slice3A_14 = vector.extract_strided_slice %max3A_9 {offsets = [512, 0], sizes = [512, 128], strides = [1, 1]} : vector<1024x128xf32> to vector<512x128xf32>
    %slice3A_15 = vector.extract_strided_slice %max3A_12 {offsets = [0, 0], sizes = [512, 128], strides = [1, 1]} : vector<1024x128xf32> to vector<512x128xf32>
    %slice3A_16 = vector.extract_strided_slice %max3A_12 {offsets = [512, 0], sizes = [512, 128], strides = [1, 1]} : vector<1024x128xf32> to vector<512x128xf32>
    %max3A_17 = arith.maximumf %slice3A_13, %slice3A_14 : vector<512x128xf32>
    %min3A_18 = arith.minimumf %slice3A_13, %slice3A_14 : vector<512x128xf32>
    %max3A_19 = arith.maximumf %slice3A_15, %slice3A_16 : vector<512x128xf32>
    %max3A_20 = arith.maximumf %min3A_18, %max3A_19 : vector<512x128xf32>
    %slice3A_21 = vector.extract_strided_slice %max3A_17 {offsets = [0, 0], sizes = [256, 128], strides = [1, 1]} : vector<512x128xf32> to vector<256x128xf32>
    %slice3A_22 = vector.extract_strided_slice %max3A_17 {offsets = [256, 0], sizes = [256, 128], strides = [1, 1]} : vector<512x128xf32> to vector<256x128xf32>
    %slice3A_23 = vector.extract_strided_slice %max3A_20 {offsets = [0, 0], sizes = [256, 128], strides = [1, 1]} : vector<512x128xf32> to vector<256x128xf32>
    %slice3A_24 = vector.extract_strided_slice %max3A_20 {offsets = [256, 0], sizes = [256, 128], strides = [1, 1]} : vector<512x128xf32> to vector<256x128xf32>
    %max3A_25 = arith.maximumf %slice3A_21, %slice3A_22 : vector<256x128xf32>
    %min3A_26 = arith.minimumf %slice3A_21, %slice3A_22 : vector<256x128xf32>
    %max3A_27 = arith.maximumf %slice3A_23, %slice3A_24 : vector<256x128xf32>
    %max3A_28 = arith.maximumf %min3A_26, %max3A_27 : vector<256x128xf32>
    %slice3A_29 = vector.extract_strided_slice %max3A_25 {offsets = [0, 0], sizes = [128, 128], strides = [1, 1]} : vector<256x128xf32> to vector<128x128xf32>
    %slice3A_30 = vector.extract_strided_slice %max3A_25 {offsets = [128, 0], sizes = [128, 128], strides = [1, 1]} : vector<256x128xf32> to vector<128x128xf32>
    %slice3A_31 = vector.extract_strided_slice %max3A_28 {offsets = [0, 0], sizes = [128, 128], strides = [1, 1]} : vector<256x128xf32> to vector<128x128xf32>
    %slice3A_32 = vector.extract_strided_slice %max3A_28 {offsets = [128, 0], sizes = [128, 128], strides = [1, 1]} : vector<256x128xf32> to vector<128x128xf32>
    %max3A_33 = arith.maximumf %slice3A_29, %slice3A_30 : vector<128x128xf32>
    %min3A_34 = arith.minimumf %slice3A_29, %slice3A_30 : vector<128x128xf32>
    %max3A_35 = arith.maximumf %slice3A_31, %slice3A_32 : vector<128x128xf32>
    %max3A_36 = arith.maximumf %min3A_34, %max3A_35 : vector<128x128xf32>
    %slice3A_37 = vector.extract_strided_slice %max3A_33 {offsets = [0, 0], sizes = [64, 128], strides = [1, 1]} : vector<128x128xf32> to vector<64x128xf32>
    %slice3A_38 = vector.extract_strided_slice %max3A_33 {offsets = [64, 0], sizes = [64, 128], strides = [1, 1]} : vector<128x128xf32> to vector<64x128xf32>
    %slice3A_39 = vector.extract_strided_slice %max3A_36 {offsets = [0, 0], sizes = [64, 128], strides = [1, 1]} : vector<128x128xf32> to vector<64x128xf32>
    %slice3A_40 = vector.extract_strided_slice %max3A_36 {offsets = [64, 0], sizes = [64, 128], strides = [1, 1]} : vector<128x128xf32> to vector<64x128xf32>
    %max3A_41 = arith.maximumf %slice3A_37, %slice3A_38 : vector<64x128xf32>
    %min3A_42 = arith.minimumf %slice3A_37, %slice3A_38 : vector<64x128xf32>
    %max3A_43 = arith.maximumf %slice3A_39, %slice3A_40 : vector<64x128xf32>
    %max3A_44 = arith.maximumf %min3A_42, %max3A_43 : vector<64x128xf32>
    %slice3A_45 = vector.extract_strided_slice %max3A_41 {offsets = [0, 0], sizes = [32, 128], strides = [1, 1]} : vector<64x128xf32> to vector<32x128xf32>
    %slice3A_46 = vector.extract_strided_slice %max3A_41 {offsets = [32, 0], sizes = [32, 128], strides = [1, 1]} : vector<64x128xf32> to vector<32x128xf32>
    %slice3A_47 = vector.extract_strided_slice %max3A_44 {offsets = [0, 0], sizes = [32, 128], strides = [1, 1]} : vector<64x128xf32> to vector<32x128xf32>
    %slice3A_48 = vector.extract_strided_slice %max3A_44 {offsets = [32, 0], sizes = [32, 128], strides = [1, 1]} : vector<64x128xf32> to vector<32x128xf32>
    %max3A_49 = arith.maximumf %slice3A_45, %slice3A_46 : vector<32x128xf32>
    %min3A_50 = arith.minimumf %slice3A_45, %slice3A_46 : vector<32x128xf32>
    %max3A_51 = arith.maximumf %slice3A_47, %slice3A_48 : vector<32x128xf32>
    %max3A_52 = arith.maximumf %min3A_50, %max3A_51 : vector<32x128xf32>
    %slice3A_53 = vector.extract_strided_slice %max3A_49 {offsets = [0, 0], sizes = [16, 128], strides = [1, 1]} : vector<32x128xf32> to vector<16x128xf32>
    %slice3A_54 = vector.extract_strided_slice %max3A_49 {offsets = [16, 0], sizes = [16, 128], strides = [1, 1]} : vector<32x128xf32> to vector<16x128xf32>
    %slice3A_55 = vector.extract_strided_slice %max3A_52 {offsets = [0, 0], sizes = [16, 128], strides = [1, 1]} : vector<32x128xf32> to vector<16x128xf32>
    %slice3A_56 = vector.extract_strided_slice %max3A_52 {offsets = [16, 0], sizes = [16, 128], strides = [1, 1]} : vector<32x128xf32> to vector<16x128xf32>
    %max3A_57 = arith.maximumf %slice3A_53, %slice3A_54 : vector<16x128xf32>
    %min3A_58 = arith.minimumf %slice3A_53, %slice3A_54 : vector<16x128xf32>
    %max3A_59 = arith.maximumf %slice3A_55, %slice3A_56 : vector<16x128xf32>
    %max3A_60 = arith.maximumf %min3A_58, %max3A_59 : vector<16x128xf32>
    %slice3A_61 = vector.extract_strided_slice %max3A_57 {offsets = [0, 0], sizes = [8, 128], strides = [1, 1]} : vector<16x128xf32> to vector<8x128xf32>
    %slice3A_62 = vector.extract_strided_slice %max3A_57 {offsets = [8, 0], sizes = [8, 128], strides = [1, 1]} : vector<16x128xf32> to vector<8x128xf32>
    %slice3A_63 = vector.extract_strided_slice %max3A_60 {offsets = [0, 0], sizes = [8, 128], strides = [1, 1]} : vector<16x128xf32> to vector<8x128xf32>
    %slice3A_64 = vector.extract_strided_slice %max3A_60 {offsets = [8, 0], sizes = [8, 128], strides = [1, 1]} : vector<16x128xf32> to vector<8x128xf32>
    %max3A_65 = arith.maximumf %slice3A_61, %slice3A_62 : vector<8x128xf32>
    %min3A_66 = arith.minimumf %slice3A_61, %slice3A_62 : vector<8x128xf32>
    %max3A_67 = arith.maximumf %slice3A_63, %slice3A_64 : vector<8x128xf32>
    %max3A_68 = arith.maximumf %min3A_66, %max3A_67 : vector<8x128xf32>
    %get3A_69 = arith.constant 0 : index
    %get3A_70 = arith.constant 0 : index
    %get3A_71 = vector.load %arg2[%get3A_69, %get3A_70] : memref<16x128xf32, #tpu.memory_space<vmem>>, vector<8x128xf32>
    %get3A_72 = arith.constant 8 : index
    %get3A_73 = arith.constant 0 : index
    %get3A_74 = vector.load %arg2[%get3A_72, %get3A_73] : memref<16x128xf32, #tpu.memory_space<vmem>>, vector<8x128xf32>
    %max3A_75 = arith.maximumf %get3A_71, %max3A_65 : vector<8x128xf32>
    %swap3A = arith.constant 0 : index
    %swap3A_76 = arith.constant 0 : index
    %swap3A_77 = vector.load %arg2[%swap3A, %swap3A_76] : memref<16x128xf32, #tpu.memory_space<vmem>>, vector<8x128xf32>
    tpu.vector_store %arg2[%swap3A, %swap3A_76], %max3A_75 {strides = array<i32>} : memref<16x128xf32, #tpu.memory_space<vmem>>, vector<8x128xf32>,
    %min3A_78 = arith.minimumf %get3A_71, %max3A_65 : vector<8x128xf32>
    %max3A_79 = arith.maximumf %get3A_74, %max3A_68 : vector<8x128xf32>
    %max3A_80 = arith.maximumf %min3A_78, %max3A_79 : vector<8x128xf32>
    %swap3A_81 = arith.constant 8 : index
    %swap3A_82 = arith.constant 0 : index
    %swap3A_83 = vector.load %arg2[%swap3A_81, %swap3A_82] : memref<16x128xf32, #tpu.memory_space<vmem>>, vector<8x128xf32>
    tpu.vector_store %arg2[%swap3A_81, %swap3A_82], %max3A_80 {strides = array<i32>} : memref<16x128xf32, #tpu.memory_space<vmem>>, vector<8x128xf32>,
    return
  }
  func.func @transform_0(%arg0: i32) -> (i32, i32) {
    %c0_i32 = arith.constant 0 : i32
    %c0_i32_0 = arith.constant 0 : i32
    return %arg0, %c0_i32 : i32, i32
  }
  func.func @transform_1(%arg0: i32) -> (i32, i32) {
    %c0_i32 = arith.constant 0 : i32
    %c0_i32_0 = arith.constant 0 : i32
    %c0_i32_1 = arith.constant 0 : i32
    return %c0_i32, %c0_i32_0 : i32, i32
  }
}

</mosaic_0001>

<sc_bundles>
// kernel: kernel.5.cloned.1.call-start
scs
__scs_entry_jumppad:
0x0: {  	(pc) =	sbr.rel $0x88, $3  }
0x1: {  	(tag) =	ssettag $0x0;
	lr =	simm.s32 $0x1  }
0x2: {  	[smem:$0x3F9F] =	sst lr;
	_ =	strace $0xD0000000  }
0x3: {  	_ = 	snop  }
0x4: {  	_ = 	snop  }
0x5: {  	_ = 	snop  }
0x6: {  	_ = 	snop  }
0x7: {  	_ = 	snop  }
__scs_overlays_trampoline_lowered:
0x8: {  	[smem:$0x3FAE] =	sst s0  }
0x9: {  	[smem:$0x3FAF] =	sst s1  }
0xa: {  	[smem:$0x3FB0] =	sst s2  }
0xb: {  	[smem:$0x3FB1] =	sst s3  }
0xc: {  	[smem:$0x3FB2] =	sst s4  }
0xd: {  	[smem:$0x3FB3] =	sst s5  }
0xe: {  	[smem:$0x3FB4] =	sst s6  }
0xf: {  	[smem:$0x3FB5] =	sst s7  }
0x10: {  	[smem:$0x3FB6] =	sst s8  }
0x11: {  	[smem:$0x3FB7] =	sst s9;
	s0 =	simm.s32 @!p0 $0x0  }
0x12: {  	s1 =	sld [smem:$0x3F9D];
	s0 =	simm.s32 @p0 $0x1  }
0x13: {  	[smem:$0x3FB8] =	sst s0;
	s0 =	simm.s32 @!p1 $0x0  }
0x14: {  	s2 =	sld [smem:$0x3F9C];
	s0 =	simm.s32 @p1 $0x1  }
0x15: {  	[smem:$0x3FB9] =	sst s0;
	s0 =	simm.s32 @!p2 $0x0  }
0x16: {  	s3 =	sld [smem:$0x3FDB];
	s0 =	simm.s32 @p2 $0x1  }
0x17: {  	s4 =	simm.s32 $0x1BF5;
	[smem:$0x3FBB] =	sst s0  }
0x18: {  	s0 =	sld [smem:$0x3F9E];
	_ =	swait.ge [sflag:s4], $0x0  }
0x19: {  	s7 =	sld [smem:$0x3F9F]  }
0x1a: {  	s8 =	sadd.s32 $0xFFFFE003, lr  }
0x1b: {  	s9 =	sadd.s32 $0xFFFFFEF7, lr;
	s5 =	simm.s32 $0xFFFFFFFF;
	p2 =	slt.u32 s8, $0xFFFFF086  }
0x1c: {  	p1 =	slt.u32 s9, $0xF7A;
	s5 =	simm.s32 @!p2 $0x0  }
0x1d: {  	s5 =	simm.s32 @p1 $0x1;
	p0 =	seq.s32 s7, s2  }
0x1e: {  	s7 =	smul.u32 @!p0 $0xF7A, s2;
	p2 =	seq.s32 @!p0 s5, $0x0  }
0x1f: {  	s9 =	smul.u32 $0xF7A, s1;
	s8 =	simm.s32 @!p0 $0x1BF5;
	p2 =	por !p2, p0  }
0x20: {  	[sflag:s8] =	ssyncset.s32 @!p0 $0xFFFFF086;
	s6 =	sadd.s32 @!p0 s3, s7;
	s7 =	simm.s32 @!p0 $0x108  }
0x21: {  	s3 =	sadd.s32 s3, s9;
	s6 =	sadd.s32 @!p0 $0x88, s6;
	s7 =	simm.s32 @p2 $0x1082  }
0x22: {  	[simem:s7], [sflag:s8] =	dma.local @!p0 [hbm:s6], $0xF7A  }
0x23: {  	s9 =	sor.u32 $0xD0000000, s2;
	s6 =	simm.s32 $0x108;
	_ =	swait.ge @!p0 [sflag:s8], $0x0  }
0x24: {  	s3 =	sadd.s32 $0x88, s3;
	s6 =	simm.s32 @!p1 $0x1082;
	[sflag:s4] =	ssyncset.s32 $0xFFFFF086  }
0x25: {  	[simem:s6], [sflag:s4] =	dma.local [hbm:s3], $0xF7A  }
0x26: {  	[smem:$0x3F9F] =	sst s1;
	(tag) =	ssettag s2;
	_ =	strace s9  }
0x27: {  	s1 =	sld [smem:$0x3FAF]  }
0x28: {  	s2 =	sld [smem:$0x3FB0]  }
0x29: {  	s4 =	sld [smem:$0x3FB2]  }
0x2a: {  	p0 =	seq.s32 s5, $0x0;
	s5 =	sld [smem:$0x3FB3]  }
0x2b: {  	s6 =	sld [smem:$0x3FB4]  }
0x2c: {  	s7 =	sld [smem:$0x3FB5]  }
0x2d: {  	s3 =	simm.s32 $0x108;
	s8 =	sld [smem:$0x3FB6]  }
0x2e: {  	s3 =	simm.s32 @!p0 $0x1082;
	s9 =	sld [smem:$0x3FB7]  }
0x2f: {  	lr =	sadd.s32 s0, s3;
	s0 =	sld [smem:$0x3FAE]  }
0x30: {  	s3 =	sld [smem:$0x3FB1]  }
0x31: {  	[smem:$0x3FBA] =	sst s10  }
0x32: {  	s10 =	sld [smem:$0x3FB8];
	_ =	sdelay $0x3  }
0x33: {  	p0 =	seq.s32 s10, $0x1;
	s10 =	sld [smem:$0x3FBA];
	_ =	sdelay $0x3  }
0x34: {  	[smem:$0x3FBA] =	sst s10  }
0x35: {  	s10 =	sld [smem:$0x3FB9];
	_ =	sdelay $0x3  }
0x36: {  	p1 =	seq.s32 s10, $0x1;
	s10 =	sld [smem:$0x3FBA];
	_ =	sdelay $0x3  }
0x37: {  	[smem:$0x3FBA] =	sst s10  }
0x38: {  	s10 =	sld [smem:$0x3FBB]  }
0x39: {  	_ = 	snop;
	(pc) =	sbr.ind lr, $3  }
0x3a: {  	_ = 	snop  }
0x3b: {  	_ = 	snop  }
0x3c: {  	p2 =	seq.s32 s10, $0x1;
	s10 =	sld [smem:$0x3FBA]  }
0x3d: {  	_ =	shalt  }
0x3e: {  	_ =	shalt  }
0x3f: {  	_ =	shalt  }
0x40: {  	_ =	shalt  }
0x41: {  	_ =	shalt  }
0x42: {  	_ =	shalt  }
0x43: {  	_ =	shalt  }
0x44: {  	_ =	shalt  }
0x45: {  	_ =	shalt  }
0x46: {  	_ =	shalt  }
0x47: {  	_ =	shalt  }
0x48: {  	_ =	shalt  }
0x49: {  	_ =	shalt  }
0x4a: {  	_ =	shalt  }
0x4b: {  	_ =	shalt  }
0x4c: {  	_ =	shalt  }
0x4d: {  	_ =	shalt  }
0x4e: {  	_ =	shalt  }
0x4f: {  	_ =	shalt  }
0x50: {  	_ =	shalt  }
0x51: {  	_ =	shalt  }
0x52: {  	_ =	shalt  }
0x53: {  	_ =	shalt  }
0x54: {  	_ =	shalt  }
0x55: {  	_ =	shalt  }
0x56: {  	_ =	shalt  }
0x57: {  	_ =	shalt  }
0x58: {  	_ =	shalt  }
0x59: {  	_ =	shalt  }
0x5a: {  	_ =	shalt  }
0x5b: {  	_ =	shalt  }
0x5c: {  	_ =	shalt  }
0x5d: {  	_ =	shalt  }
0x5e: {  	_ =	shalt  }
0x5f: {  	_ =	shalt  }
0x60: {  	_ =	shalt  }
0x61: {  	_ =	shalt  }
0x62: {  	_ =	shalt  }
0x63: {  	_ =	shalt  }
0x64: {  	_ =	shalt  }
0x65: {  	_ =	shalt  }
0x66: {  	_ =	shalt  }
0x67: {  	_ =	shalt  }
0x68: {  	_ =	shalt  }
0x69: {  	_ =	shalt  }
0x6a: {  	_ =	shalt  }
0x6b: {  	_ =	shalt  }
0x6c: {  	_ =	shalt  }
0x6d: {  	_ =	shalt  }
0x6e: {  	_ =	shalt  }
0x6f: {  	_ =	shalt  }
0x70: {  	_ =	shalt  }
0x71: {  	_ =	shalt  }
0x72: {  	_ =	shalt  }
0x73: {  	_ =	shalt  }
0x74: {  	_ =	shalt  }
0x75: {  	_ =	shalt  }
0x76: {  	_ =	shalt  }
0x77: {  	_ =	shalt  }
0x78: {  	_ =	shalt  }
0x79: {  	_ =	shalt  }
0x7a: {  	_ =	shalt  }
0x7b: {  	_ =	shalt  }
0x7c: {  	_ =	shalt  }
0x7d: {  	_ =	shalt  }
0x7e: {  	_ =	shalt  }
0x7f: {  	_ =	shalt  }
0x80: {  	_ =	shalt  }
0x81: {  	_ =	shalt  }
0x82: {  	_ =	shalt  }
0x83: {  	_ =	shalt  }
0x84: {  	_ =	shalt  }
0x85: {  	_ =	shalt  }
0x86: {  	_ =	shalt  }
0x87: {  	_ =	shalt  }
.Lfunc_end0:
.L_simem_size_0:
called_computation_lowered:
.L_overlay_start_0:
0x88: {  	s2 =	sld [smem:$0x3FD9]  }
0x89: {  	s3 =	sld [smem:$0x3FFE];
	_ =	sdelay $0x1  }
0x8a: {  	s1 =	srdreg.scid  }
0x8b: {  	s0 =	sand.u32 $0x1, s1  }
0x8c: {  	s17 =	sshll.u32 s0, $0xA;
	s2 =	sadd.s32 s3, s2  }
0x8d: {  	s2 =	sadd.s32 s2, s17  }
0x8e: {  	[smem:$0x3FC6] =	sst s2  }
0x8f: {  	_ = 	snop  }
0x90: {  	s2 =	sld [smem:$0x3FC9]  }
0x91: {  	s18 =	sld [smem:$0x3FC8];
	(tm) =	ssettm $0x1  }
0x92: {  	s4 =	sld [smem:$0x3FFB];
	_ =	sdelay $0x3  }
0x93: {  	_ =	strace s4  }
0x94: {  	s4 =	sld [smem:$0x3FFC];
	_ =	sdelay $0x3  }
0x95: {  	_ =	strace s4  }
0x96: {  	s4 =	sld [smem:$0x3FFD];
	_ =	sdelay $0x3  }
0x97: {  	_ =	strace s4  }
0x98: {  	_ =	strace $0x8FFFFFFF  }
0x99: {  	s19 =	sld [smem:$0x3FDB];
	_ =	sdelay $0x1  }
0x9a: {  	s5 =	simm.s32 $_scs_section_size  }
0x9b: {  	s6 =	simm.s32 $_size__tile_overlayer_lowered;
	s7 =	simm.s32 $_tile_overlayer_lowered  }
0x9c: {  	s22 =	simm.s32 $0x1BFF;
	s21 =	sshll.u32 s7, $0x1;
	s4 =	sadd.s32 s5, s19  }
0x9d: {  	s8 =	simm.s32 $0x0;
	s20 =	sshll.u32 s6, $0x1;
	s6 =	sadd.s32 s21, s4  }
0x9e: {  	[timem:s8], [sflag:s22] =	dma.local [hbm:s6], s20  }
0x9f: {  	_ =	swait.ge [sflag:s22], s20  }
0xa0: {  	s5 =	ssub.s32 $0x0, s20;
	[sflag:s22] =	ssyncset.done $0x0  }
0xa1: {  	[sflag:s22] =	ssyncadd.s32 s5;
	_ =	sdelay $0x1  }
0xa2: {  	s23 =	simm.s32 $0x1B8B  }
0xa3: {  	_ =	swait.ge [sflag:s23], $0x1  }
0xa4: {  	[sflag:s23] =	ssyncset.done $0x0  }
0xa5: {  	s25 =	simm.s32 $0x1B8E;
	s24 =	sld [smem:$0x3FFE];
	[sflag:s23] =	ssyncadd.s32 $0xFFFFFFFF  }
0xa6: {  	s26 =	simm.s32 $execute0_lowered;
	[smem:$0x3FD2] =	sst s25  }
0xa7: {  	s6 =	sshll.u32 s26, $0x1;
	_ =	strace $0x80000046;
	[dreg:$0x1] =	wrdreg $0xFFFFFFFF  }
0xa8: {  	s28 =	simm.s32 $_size_execute0_lowered;
	s4 =	sadd.s32 s4, s6;
	[dreg:$0x0] =	wrdreg $0x0  }
0xa9: {  	s6 =	sshll.u32 s28, $0x1;
	[dreg:$0x2] =	wrdreg s4  }
0xaa: {  	[dreg:$0x3] =	wrdreg s6  }
0xab: {  	[dreg:$0x4] =	wrdreg $0xC0  }
0xac: {  	_ =	task [dreg:s8], $0x5FFFF  }
0xad: {  	[dreg:$0x1] =	wrdreg $0xFFFFFFFF  }
0xae: {  	[dreg:$0x0] =	wrdreg $0x60  }
0xaf: {  	[dreg:$0x2] =	wrdreg s2  }
0xb0: {  	[dreg:$0x3] =	wrdreg s18  }
0xb1: {  	[dreg:$0x4] =	wrdreg s24  }
0xb2: {  	[dreg:$0x5] =	wrdreg $0x9  }
0xb3: {  	_ =	task.clear_ibuf [dreg:s8], $0x6FFFF;
	_ =	strace $0x90000046  }
0xb4: {  	s29 =	simm.s32 $0x9;
	_ =	strace $0x80000048  }
0xb5: {  	_ =	swait.ge [sflag:s29], $0x1  }
0xb6: {  	[sflag:s29] =	ssyncadd.s32 $0xFFFFFFFF  }
0xb7: {  	_ =	strace $0x90000048  }
0xb8: {  	_ =	sfence  }
0xb9: {  	s30 =	sld [smem:$0x0];
	_ =	sdelay $0x2  }
0xba: {  	s31 =	sshll.u32 s1, $0xD;
	s1 =	sshrl.u32 s1, $0x2  }
0xbb: {  	s3 =	sand.u32 $0x4000, s31;
	s1 =	sadd.s32 s1, s30  }
0xbc: {  	s0 =	sor.u32 s3, s0;
	s1 =	sshll.u32 s1, $0x11  }
0xbd: {  	s0 =	sor.u32 s1, s0  }
0xbe: {  	s0 =	sadd.s32 $0x8F2B, s0  }
0xbf: {  	[sflag:s0] =	ssyncadd.remote.s32 $0x1  }
0xc0: {  	_ =	sfence.sel $0xFFFF  }
0xc1: {  	[dreg:$0x0] =	wrdreg $0xFFFFFFFF;
	(pc) =	sbr.abs _section_cstart, $3  }
0xc2: {  	[dreg:$0x1] =	wrdreg $0xFFFFFFFF  }
0xc3: {  	_ =	task.clear_ibuf [dreg:s8], $0x2FFFF;
	_ =	strace $0x9FFFFFFF  }
0xc4: {  	(tm) =	ssettm $0x7FFFFFFF  }
0xc5: {  	_ =	shalt  }
tec
execute0_lowered:
.L_overlay_start_1:
0x0: {  	(tag) =	ssettag $0x1  }
0x1: {  	s1 =	rddreg [dreg:$0x0]  }
0x2: {  	s0 =	srdreg.scid;
	s3 =	rddreg [dreg:$0x1]  }
0x3: {  	s7 =	rddreg [dreg:$0x2];
	s4 =	simm.s32 $0x0;
	s14 =	simm.s32 $0xA880  }
0x4: {  	s15 =	simm.s32 $0x80;
	s16 =	simm.s32 $0x5480;
	s17 =	simm.s32 $0x1  }
0x5: {  	s18 =	simm.s32 $0x2;
	s19 =	simm.s32 $0x3;
	s6 =	sand.u32 $0x1, s0  }
0x6: {  	s20 =	simm.s32 $0xB080;
	s0 =	stileid.u32;
	s2 =	sshll.u32 s6, $0x4  }
0x7: {  	s21 =	simm.s32 $0x0;
	[smem:$0x7FF] =	sst s4;
	s8 =	sor.u32 s0, s2  }
0x8: {  	s6 =	ssub.s32 $0x2, s6;
	s2 =	rddreg [dreg:$0x3];
	s5 =	smul.u32 $0x538, s8  }
0x9: {  	v0 =	vlaneseq.u32;
	_ =	strace $0x80000047;
	s10 =	sshrl.u32 s6, $0x1;
	p0 =	seq.s32 s8, $0x1F  }
0xa: {  	vm0 =	vmmov $0xffff;
	v4 =	vimm.f32 $-Inf;
	v2 =	vand.u32 $0x3, v0;
	s9 =	sshll.u32 s8, $0x5;
	s8 =	sshll.u32 s8, $0x2;
	s5 =	sadd.s32 $0xE000, s5  }
0xb: {  	v5 =	vor.u32 $0x10, v0;
	v6 =	vor.u32 $0x20, v0;
	v7 =	vor.u32 $0x30, v0;
	s13 =	ssub.s32 s6, s10;
	s12 =	sadd.s32 s9, s7;
	s5 =	simm.s32 @p0 $0x18160  }
0xc: {  	v8 =	vor.u32 $0x40, v0;
	v1 =	vor.u32 s8, v2;
	v2 =	vmul.u32 $0x80, v2;
	s11 =	sshll.u32 s5, $0x4;
	s8 =	sadd.s32 $0x150, s5;
	s9 =	sadd.s32 $0xA8, s5  }
0xd: {  	v9 =	vor.u32 $0x50, v0;
	v10 =	vor.u32 $0x60, v0;
	v3 =	vand.u32 $0x7F, v1;
	s10 =	sadd.s32 $0x1F8, s5;
	s6 =	sadd.s32 s1, s11;
	s11 =	sadd.s32 $0x800, s12  }
0xe: {  	v11 =	vor.u32 $0x70, v0;
	v2 =	vor.u32 v2, v3;
	v3 =	vor.u32 $0x80, v3;
	s12 =	smax.u32 s13, $0x1;
	s13 =	simm.s32 $0x4;
	s7 =	sadd.s32 $0xA80, s6  }
.LBB2_1:
0xf: {  	[tilespmem:s4], [sflag:$0x4] =	stream.linear.gather [hbm4b:s3+s4], $0x80, $0x38;
	[tilespmem:$0xB180] =	vst v63  }
0x10: {  	_ =	swait.ge [sflag:s13], $0x80  }
0x11: {  	[sflag:s13] =	ssyncset.done $0x0  }
0x12: {  	[sflag:s13] =	ssyncadd.s32 $0xFFFFFF80  }
0x13: {  	v12 =	vld.idx.msk [tilespmem:v1+s4+$0x0], $0xffff;
	_ =	sdelay $0x7  }
0x14: {  	[tilespmem:s14], [sflag:$0x3] =	stream.indirect_vreg.gather [hbm4b:s1+s4], $0x80, v12, vm0, $0xb8;
	[tilespmem:$0xB180] =	vst v63  }
0x15: {  	v12 =	vld [tilespmem:$0x0]  }
0x16: {  	v13 =	vld [tilespmem:$0x10]  }
0x17: {  	v14 =	vld [tilespmem:$0x20]  }
0x18: {  	v15 =	vld [tilespmem:$0x30]  }
0x19: {  	v16 =	vld [tilespmem:$0x40]  }
0x1a: {  	v17 =	vld [tilespmem:$0x50]  }
0x1b: {  	v18 =	vld [tilespmem:$0x60]  }
0x1c: {  	v25 =	vimm.f32 $-Inf;
	v20 =	vimm.f32 $-Inf;
	v19 =	vld [tilespmem:$0x70];
	[tilespmem:s15], [sflag:$0x1] =	stream.linear.gather [hbm4b:s6+s4], $0x5400, $0x38  }
0x1d: {  	v21 =	vimm.f32 $-Inf;
	v22 =	vimm.f32 $-Inf;
	v23 =	vimm.f32 $-Inf;
	s22 =	simm.s32 $0x0  }
0x1e: {  	v24 =	vimm.f32 $-Inf;
	v27 =	vimm.f32 $-Inf;
	v26 =	vimm.f32 $-Inf;
	[tilespmem:s16], [sflag:$0x2] =	stream.linear.gather [hbm4b:s7+s4], $0x5400, $0x38;
	[tilespmem:$0xB180] =	vst v63  }
.LBB2_2:
0x1f: {  	s23 =	smul.u32 $0x150, s22;
	_ =	sdelay $0x1  }
0x20: {  	s24 =	sadd.s32 s5, s23  }
0x21: {  	v28 =	vmov s24  }
0x22: {  	v29 =	vsub.s32 v12, v28  }
0x23: {  	v31 =	vsub.s32 v13, v28;
	v32 =	vsub.s32 v15, v28;
	v33 =	vsub.s32 v16, v28  }
0x24: {  	v34 =	vsub.s32 v17, v28;
	v35 =	vsub.s32 v18, v28;
	vm1 =	vgt.s32 v29, $0x0  }
0x25: {  	vm3 =	vlt.u32 v29, $0xA8;
	vm2 =	vlt.u32 v31, $0xA8;
	vm5 =	vgt.s32 v32, $0x0  }
0x26: {  	vm10 =	vlt.u32 v32, $0xA8;
	vm6 =	vgt.s32 v33, $0x0;
	vm11 =	vlt.u32 v33, $0xA8  }
0x27: {  	vm12 =	vgt.s32 v34, $0x0;
	vm13 =	vgt.s32 v35, $0x0;
	vm14 =	vlt.u32 v34, $0xA8  }
0x28: {  	vm15 =	vlt.u32 v35, $0xA8;
	v30 =	vnsel vm1, $0x0, v29;
	vm1 =	vgt.s32 v31, $0x0  }
0x29: {  	v32 =	vnsel vm5, $0x0, v32;
	v33 =	vnsel vm6, $0x0, v33;
	v36 =	vnsel vm12, $0x0, v34  }
0x2a: {  	v37 =	vnsel vm13, $0x0, v35;
	v29 =	vmin.u32 v30, $0xA7;
	v30 =	vnsel vm1, $0x0, v31  }
0x2b: {  	v31 =	vsub.s32 v14, v28;
	v28 =	vsub.s32 v19, v28;
	v32 =	vmin.u32 v32, $0xA7  }
0x2c: {  	v33 =	vmin.u32 v33, $0xA7;
	vm1 =	vlt.u32 v31, $0xA8;
	vm4 =	vgt.s32 v31, $0x0  }
0x2d: {  	v29 =	vshll.u32 v29, $0x7;
	v30 =	vmin.u32 v30, $0xA7;
	v31 =	vnsel vm4, $0x0, v31  }
0x2e: {  	p0 =	seq.s32 s22, $0x3;
	v29 =	vor.u32 v0, v29;
	v30 =	vshll.u32 v30, $0x7;
	v31 =	vmin.u32 v31, $0xA7  }
0x2f: {  	_ =	swait.ge [sflag:s17], $0x5400;
	s24 =	sadd.s32 @!p0 s23, s8;
	v60 =	vmin.u32 v36, $0xA7;
	v30 =	vor.u32 v5, v30;
	v31 =	vshll.u32 v31, $0x7  }
0x30: {  	[sflag:s17] =	ssyncset.done $0x0;
	s25 =	simm.s32 @!p0 $0x0;
	s24 =	sshll.u32 @!p0 s24, $0x4;
	v61 =	vmin.u32 v37, $0xA7;
	v32 =	vshll.u32 v32, $0x7;
	v31 =	vor.u32 v6, v31  }
0x31: {  	s26 =	simm.s32 @!p0 $0x80;
	[sflag:s17] =	ssyncadd.s32 $0xFFFFAC00;
	s24 =	sadd.s32 @!p0 s1, s24;
	vm7 =	vgt.s32 v28, $0x0;
	v33 =	vshll.u32 v33, $0x7;
	v32 =	vor.u32 v7, v32  }
0x32: {  	[tilespmem:s26], [sflag:$0x1] =	stream.linear.gather @!p0 [hbm4b:s24+s25], $0x5400, $0x38;
	v35 =	vshll.u32 v60, $0x7;
	v59 =	vnsel vm7, $0x0, v28;
	v33 =	vor.u32 v8, v33;
	[tilespmem:$0xB180] =	vst v63  }
0x33: {  	v62 =	vshll.u32 v61, $0x7;
	v34 =	vmin.u32 v59, $0xA7;
	[tilespmem:v29+s15+$0x0] =	vst.idx.msk vm3, v4;
	v29 =	vor.u32 v9, v35  }
0x34: {  	[tilespmem:v30+s15+$0x0] =	vst.idx.msk vm2, v4;
	v30 =	vor.u32 v10, v62;
	vm2 =	vlt.u32 v28, $0xA8;
	v28 =	vshll.u32 v34, $0x7  }
0x35: {  	v28 =	vor.u32 v11, v28;
	[tilespmem:v31+s15+$0x0] =	vst.idx.msk vm1, v4  }
0x36: {  	[tilespmem:v32+s15+$0x0] =	vst.idx.msk vm10, v4  }
0x37: {  	[tilespmem:v33+s15+$0x0] =	vst.idx.msk vm11, v4  }
0x38: {  	[tilespmem:v29+s15+$0x0] =	vst.idx.msk vm14, v4  }
0x39: {  	[tilespmem:v30+s15+$0x0] =	vst.idx.msk vm15, v4  }
0x3a: {  	s31 =	simm.s32 $0x0;
	[tilespmem:v28+s15+$0x0] =	vst.idx.msk vm2, v4  }
0x3b: {  	v32 =	vld [tilespmem:s31+$0xF0]  }
0x3c: {  	v33 =	vld [tilespmem:s31+$0x80]  }
0x3d: {  	v63 =	vld [tilespmem:s31+$0x90]  }
0x3e: {  	v30 =	vld [tilespmem:s31+$0xA0]  }
0x3f: {  	v28 =	vld [tilespmem:s31+$0xB0]  }
0x40: {  	v29 =	vld [tilespmem:s31+$0xC0]  }
0x41: {  	v31 =	vld [tilespmem:s31+$0xD0]  }
0x42: {  	s24 =	simm.s32 $0x80;
	s25 =	simm.s32 $0x400;
	v25 =	vmax.f32 v25, v32;
	v26 =	vmax.f32 v26, v33;
	v27 =	vmax.f32 v27, v63;
	v32 =	vld [tilespmem:s31+$0xE0]  }
.LBB2_3:
0x43: {  	p1 =	sne.s32 s25, $0x14E00;
	v33 =	vld [tilespmem:s24+$0xF0];
	v24 =	vmax.f32 v24, v30  }
0x44: {  	v34 =	vld [tilespmem:s24+$0x80];
	v23 =	vmax.f32 v23, v28  }
0x45: {  	v35 =	vld [tilespmem:s24+$0x90];
	v22 =	vmax.f32 v22, v29  }
.Ltmp0:
0x46: {  	v30 =	vld [tilespmem:s24+$0xA0];
	v21 =	vmax.f32 v21, v31;
	(pc) =	sbr.rel @p1 .LBB2_3-.Ltmp0, $4  }
0x47: {  	v28 =	vld [tilespmem:s24+$0xB0];
	v20 =	vmax.f32 v20, v32  }
0x48: {  	v29 =	vld [tilespmem:s24+$0xC0];
	v25 =	vmax.f32 v25, v33  }
0x49: {  	v26 =	vmax.f32 v26, v34;
	v31 =	vld [tilespmem:s24+$0xD0]  }
0x4a: {  	v27 =	vmax.f32 v27, v35;
	v32 =	vld [tilespmem:s24+$0xE0];
	s24 =	sshra.s32 s25, $0x2;
	s25 =	sadd.s32 $0x200, s25  }
0x4b: {  	s25 =	sadd.s32 s23, s9  }
0x4c: {  	v33 =	vmov s25  }
0x4d: {  	v34 =	vsub.s32 v12, v33  }
0x4e: {  	v36 =	vsub.s32 v13, v33;
	v57 =	vsub.s32 v14, v33;
	v38 =	vsub.s32 v15, v33  }
0x4f: {  	v40 =	vsub.s32 v16, v33;
	v43 =	vsub.s32 v17, v33;
	v45 =	vsub.s32 v18, v33  }
0x50: {  	v33 =	vsub.s32 v19, v33;
	vm1 =	vgt.s32 v34, $0x0;
	vm3 =	vlt.u32 v34, $0xA8  }
0x51: {  	vm2 =	vgt.s32 v36, $0x0;
	vm4 =	vgt.s32 v57, $0x0;
	vm5 =	vgt.s32 v38, $0x0  }
0x52: {  	vm10 =	vlt.u32 v38, $0xA8;
	vm6 =	vgt.s32 v40, $0x0;
	vm11 =	vlt.u32 v40, $0xA8  }
0x53: {  	v37 =	vld [tilespmem:s24+$0xF0];
	vm12 =	vgt.s32 v43, $0x0;
	vm13 =	vgt.s32 v45, $0x0;
	vm7 =	vgt.s32 v33, $0x0  }
0x54: {  	v39 =	vld [tilespmem:s24+$0x80];
	vm14 =	vlt.u32 v43, $0xA8;
	vm15 =	vlt.u32 v45, $0xA8;
	v35 =	vnsel vm1, $0x0, v34  }
0x55: {  	v41 =	vld [tilespmem:s24+$0x90];
	vm1 =	vlt.u32 v36, $0xA8;
	v56 =	vnsel vm2, $0x0, v36;
	vm2 =	vlt.u32 v57, $0xA8  }
0x56: {  	v42 =	vld [tilespmem:s24+$0xA0];
	v36 =	vnsel vm4, $0x0, v57;
	v38 =	vnsel vm5, $0x0, v38;
	v40 =	vnsel vm6, $0x0, v40  }
0x57: {  	v44 =	vld [tilespmem:s24+$0xB0];
	v47 =	vnsel vm12, $0x0, v43;
	v49 =	vnsel vm13, $0x0, v45;
	v55 =	vmin.u32 v35, $0xA7  }
0x58: {  	v46 =	vld [tilespmem:s24+$0xC0];
	v58 =	vnsel vm7, $0x0, v33;
	v35 =	vmin.u32 v56, $0xA7;
	v34 =	vshll.u32 v55, $0x7  }
0x59: {  	v48 =	vld [tilespmem:s24+$0xD0];
	v36 =	vmin.u32 v36, $0xA7;
	v35 =	vshll.u32 v35, $0x7;
	v34 =	vor.u32 v0, v34  }
0x5a: {  	v59 =	vld [tilespmem:s24+$0xE0];
	_ =	swait.ge [sflag:s18], $0x5400;
	s23 =	sadd.s32 @!p0 s23, s10;
	v38 =	vmin.u32 v38, $0xA7;
	v36 =	vshll.u32 v36, $0x7;
	v35 =	vor.u32 v5, v35  }
0x5b: {  	s24 =	simm.s32 @!p0 $0x0;
	[sflag:s18] =	ssyncset.done $0x0;
	s23 =	sshll.u32 @!p0 s23, $0x4;
	v40 =	vmin.u32 v40, $0xA7;
	v38 =	vshll.u32 v38, $0x7;
	v36 =	vor.u32 v6, v36  }
0x5c: {  	s25 =	simm.s32 @!p0 $0x5480;
	[sflag:s18] =	ssyncadd.s32 $0xFFFFAC00;
	s23 =	sadd.s32 @!p0 s1, s23;
	v47 =	vmin.u32 v47, $0xA7;
	v40 =	vshll.u32 v40, $0x7;
	v38 =	vor.u32 v7, v38  }
0x5d: {  	[tilespmem:s25], [sflag:$0x2] =	stream.linear.gather @!p0 [hbm4b:s23+s24], $0x5400, $0x38;
	v49 =	vmin.u32 v49, $0xA7;
	v47 =	vshll.u32 v47, $0x7;
	v40 =	vor.u32 v8, v40;
	[tilespmem:$0xB180] =	vst v63  }
0x5e: {  	v43 =	vmin.u32 v58, $0xA7;
	v61 =	vshll.u32 v49, $0x7;
	v60 =	vor.u32 v9, v47;
	[tilespmem:v34+s16+$0x0] =	vst.idx.msk vm3, v4  }
0x5f: {  	v63 =	vshll.u32 v43, $0x7;
	v62 =	vor.u32 v10, v61;
	[tilespmem:v35+s16+$0x0] =	vst.idx.msk vm1, v4;
	vm1 =	vlt.u32 v33, $0xA8  }
0x60: {  	v35 =	vor.u32 v11, v63;
	[tilespmem:v36+s16+$0x0] =	vst.idx.msk vm2, v4  }
0x61: {  	[tilespmem:v38+s16+$0x0] =	vst.idx.msk vm10, v4  }
0x62: {  	[tilespmem:v40+s16+$0x0] =	vst.idx.msk vm11, v4  }
0x63: {  	[tilespmem:v60+s16+$0x0] =	vst.idx.msk vm14, v4  }
0x64: {  	[tilespmem:v62+s16+$0x0] =	vst.idx.msk vm15, v4  }
0x65: {  	s31 =	simm.s32 $0x0;
	[tilespmem:v35+s16+$0x0] =	vst.idx.msk vm1, v4  }
0x66: {  	v33 =	vld [tilespmem:s31+$0x54F0]  }
0x67: {  	v34 =	vld [tilespmem:s31+$0x5480]  }
0x68: {  	v24 =	vmax.f32 v24, v30;
	v35 =	vld [tilespmem:s31+$0x5490]  }
0x69: {  	v23 =	vmax.f32 v23, v28;
	v22 =	vmax.f32 v22, v29;
	v31 =	vmax.f32 v21, v31;
	v28 =	vld [tilespmem:s31+$0x54A0]  }
0x6a: {  	v32 =	vmax.f32 v20, v32;
	v25 =	vmax.f32 v25, v37;
	v26 =	vmax.f32 v26, v39;
	v29 =	vld [tilespmem:s31+$0x54B0]  }
0x6b: {  	v27 =	vmax.f32 v27, v41;
	v20 =	vmax.f32 v24, v42;
	v21 =	vmax.f32 v23, v44;
	v30 =	vld [tilespmem:s31+$0x54C0]  }
0x6c: {  	v22 =	vmax.f32 v22, v46;
	v23 =	vmax.f32 v31, v48;
	v24 =	vmax.f32 v32, v59;
	v31 =	vld [tilespmem:s31+$0x54D0]  }
0x6d: {  	s23 =	simm.s32 $0x80;
	s24 =	simm.s32 $0x400;
	v32 =	vld [tilespmem:s31+$0x54E0];
	v25 =	vmax.f32 v25, v33;
	v26 =	vmax.f32 v26, v34;
	v27 =	vmax.f32 v27, v35  }
.LBB2_5:
0x6e: {  	p0 =	sne.s32 s24, $0x14E00;
	v33 =	vld [tilespmem:s23+$0x54F0];
	v20 =	vmax.f32 v20, v28  }
0x6f: {  	v34 =	vld [tilespmem:s23+$0x5480];
	v21 =	vmax.f32 v21, v29  }
0x70: {  	v35 =	vld [tilespmem:s23+$0x5490];
	v22 =	vmax.f32 v22, v30  }
.Ltmp1:
0x71: {  	v28 =	vld [tilespmem:s23+$0x54A0];
	v23 =	vmax.f32 v23, v31;
	(pc) =	sbr.rel @p0 .LBB2_5-.Ltmp1, $4  }
0x72: {  	v29 =	vld [tilespmem:s23+$0x54B0];
	v24 =	vmax.f32 v24, v32  }
0x73: {  	v30 =	vld [tilespmem:s23+$0x54C0];
	v25 =	vmax.f32 v25, v33  }
0x74: {  	v26 =	vmax.f32 v26, v34;
	v31 =	vld [tilespmem:s23+$0x54D0]  }
0x75: {  	v27 =	vmax.f32 v27, v35;
	v32 =	vld [tilespmem:s23+$0x54E0];
	s23 =	sshra.s32 s24, $0x2;
	s24 =	sadd.s32 $0x200, s24  }
0x76: {  	v33 =	vld [tilespmem:s23+$0x54F0]  }
0x77: {  	v34 =	vld [tilespmem:s23+$0x5480]  }
0x78: {  	v35 =	vld [tilespmem:s23+$0x5490]  }
0x79: {  	v36 =	vld [tilespmem:s23+$0x54A0]  }
0x7a: {  	v37 =	vld [tilespmem:s23+$0x54B0]  }
0x7b: {  	v38 =	vld [tilespmem:s23+$0x54C0]  }
0x7c: {  	v39 =	vld [tilespmem:s23+$0x54D0];
	s22 =	sadd.s32 $0x1, s22  }
0x7d: {  	v40 =	vld [tilespmem:s23+$0x54E0];
	p0 =	sne.s32 s22, $0x4  }
.Ltmp2:
0x7e: {  	v20 =	vmax.f32 v20, v28;
	(pc) =	sbr.rel @p0 .LBB2_2-.Ltmp2, $4  }
0x7f: {  	v21 =	vmax.f32 v21, v29;
	v22 =	vmax.f32 v22, v30;
	v28 =	vmax.f32 v23, v31  }
0x80: {  	v29 =	vmax.f32 v24, v32;
	v25 =	vmax.f32 v25, v33;
	v26 =	vmax.f32 v26, v34  }
0x81: {  	v27 =	vmax.f32 v27, v35;
	v24 =	vmax.f32 v20, v36;
	v23 =	vmax.f32 v21, v37  }
0x82: {  	v22 =	vmax.f32 v22, v38;
	v21 =	vmax.f32 v28, v39;
	v20 =	vmax.f32 v29, v40  }
0x83: {  	[tilespmem:$0xB080] =	vst v26  }
0x84: {  	[tilespmem:$0xB100] =	vst v4  }
0x85: {  	[tilespmem:$0xB090] =	vst v27  }
0x86: {  	[tilespmem:$0xB110] =	vst v4  }
0x87: {  	[tilespmem:$0xB0A0] =	vst v24  }
0x88: {  	[tilespmem:$0xB120] =	vst v4  }
0x89: {  	[tilespmem:$0xB0B0] =	vst v23  }
0x8a: {  	[tilespmem:$0xB130] =	vst v4  }
0x8b: {  	[tilespmem:$0xB0C0] =	vst v22  }
0x8c: {  	[tilespmem:$0xB140] =	vst v4  }
0x8d: {  	[tilespmem:$0xB0D0] =	vst v21  }
0x8e: {  	[tilespmem:$0xB150] =	vst v4  }
0x8f: {  	[tilespmem:$0xB0E0] =	vst v20  }
0x90: {  	[tilespmem:$0xB160] =	vst v4  }
0x91: {  	[tilespmem:$0xB0F0] =	vst v25  }
0x92: {  	[tilespmem:$0xB170] =	vst v4  }
0x93: {  	_ =	swait.ge [sflag:s19], $0x800  }
0x94: {  	[sflag:s19] =	ssyncset.done $0x0  }
0x95: {  	[sflag:s19] =	ssyncadd.s32 $0xFFFFF800  }
0x96: {  	v12 =	vld.idx.msk [tilespmem:v2+s14+$0x0], $0xffff;
	_ =	sdelay $0x2  }
0x97: {  	s21 =	sadd.s32 $0x1, s21  }
0x98: {  	p0 =	sne.s32 s21, s12  }
.Ltmp3:
0x99: {  	[tilespmem:v3+s20+$0x0] =	vst.idx.msk $0xf, v12;
	(pc) =	sbr.rel @p0 .LBB2_1-.Ltmp3, $4  }
0x9a: {  	[hbm4b:s11+s4] =	stream.linear.scatter [tilespmem:s20], [sflag:$0x4], $0x100, $0x38;
	[tilespmem:$0xB180] =	vst v63  }
0x9b: {  	_ =	swait.ge [sflag:s13], $0x100  }
0x9c: {  	[sflag:s13] =	ssyncset.done $0x0  }
0x9d: {  	[sflag:s13] =	ssyncadd.s32 $0xFFFFFF00  }
0x9e: {  	_ =	sfence.sel $0x180000  }
0x9f: {  	[bflag:$0x0] =	sbarrier.arrive $0xFFFF  }
0xa0: {  	p0 =	sne.s32 s0, $0x0;
	_ =	strace $0x90000047  }
0xa1: {  	s0 =	sadd.s32 @!p0 $0x100000, s2;
	[bflag:$0x2] =	sbarrier.arrive $0xFFFF  }
0xa2: {  	[sflag:s0] =	ssyncadd.tile.s32 @!p0 $0x1;
	_ =	shalt  }
.Lfunc_end2:
_tile_overlayer_lowered:
.L_overlay_start_2:
0xa3: {  	(tag) =	ssettag $0x2  }
0xa4: {  	s0 =	rddreg [dreg:$0x0];
	s2 =	stileid.u32  }
0xa5: {  	s1 =	rddreg [dreg:$0x1];
	p0 =	sne.s32 s2, $0x0  }
0xa6: {  	s3 =	rddreg [dreg:$0x2];
	[bflag:$0x3] =	sbarrier.arrive $0xFFFF;
	s2 =	simm.s32 @!p0 $0x1C04  }
0xa7: {  	[timem:s3], [sflag:s2] =	dma.local @!p0 [hbm:s0], s1  }
0xa8: {  	s0 =	simm.s32 @!p0 $0x4  }
0xa9: {  	_ =	swait.ge @!p0 [sflag:s0], s1  }
0xaa: {  	s1 =	ssub.s32 @!p0 $0x0, s1;
	[sflag:s0] =	ssyncset.done @!p0 $0x0  }
0xab: {  	[sflag:s0] =	ssyncadd.s32 @!p0 s1  }
0xac: {  	[bflag:$0x3] =	sbarrier.arrive $0xFFFF  }
0xad: {  	_ =	shalt  }

</sc_bundles>
